<compile_context>
chip_gen: v7x
topology: tpu7x:2x2x1
jax: 0.10.2.dev20260603
libtpu: 0.0.44.dev20260713+nightly
codegen_flags: <defaults>
</compile_context>

<pallas_src>
import functools

import jax
import jax.numpy as jnp
from jax import lax
from jax.experimental import pallas as pl
from jax.experimental.pallas import tpu as pltpu
from jax.experimental.pallas import tpu_sc as plsc

_N_CHANNELS = 100
_RESOLUTIONS = (16, 64, 256, 1024)
_OFFSETS = (0, 1700, 8200, 33900)
_SC_RES = ((64, 1700), (256, 8200), (1024, 33900))
_TC_RES = ((16, 0, 32),)
_FPAD = 128
_DIM = 64
_BATCH = 4096
_NC, _NS, _L = 2, 16, 16
_NW = _NC * _NS
_BPW = _BATCH // _NW
_NSC = _N_CHANNELS * len(_SC_RES)
_MB = _BPW // _L
_KC = 8


def _bucket_ids(v, r, one, zero):
    scale = jnp.float32(r - 1)
    delta = jnp.float32(1.0) / jnp.float32(r - 1)
    t = v * scale
    f = t.astype(jnp.int32)
    k = f + jnp.where(t > f.astype(jnp.float32), one, zero)
    k = jnp.minimum(k, r - 1)
    km1 = k - 1
    b_lo = jnp.where(km1 < 0, jnp.float32(-1.0),
                     km1.astype(jnp.float32) * delta)
    b_hi = jnp.where(k == r - 1, jnp.float32(1.0),
                     k.astype(jnp.float32) * delta)
    return (km1 + jnp.where(b_lo < v, one, zero)
            + jnp.where(b_hi < v, one, zero))


_MESH = plsc.VectorSubcoreMesh(core_axis_name="c", subcore_axis_name="s",
                               num_cores=_NC, num_subcores=_NS)


@functools.partial(
    pl.kernel,
    out_type=jax.ShapeDtypeStruct((_BATCH, _DIM), jnp.float32),
    mesh=_MESH,
    compiler_params=pltpu.CompilerParams(use_tc_tiling_on_sc=False,
                                         needs_layout_passes=False),
    scratch_types=[
        pltpu.VMEM((_BPW, _FPAD), jnp.float32),
        pltpu.VMEM((_NSC, _BPW), jnp.int32),
        pltpu.VMEM((_BPW, _DIM), jnp.float32),
        pltpu.SemaphoreType.DMA,
        pltpu.SemaphoreType.DMA,
    ],
)
def _emb_sc(ft_hbm, w_hbm, out_hbm, feat_v, idx_v, acc_v, sem_f, sem0):
    wid = lax.axis_index("s") * _NC + lax.axis_index("c")
    base = wid * _BPW

    pltpu.async_copy(ft_hbm.at[pl.ds(base, _BPW), :], feat_v, sem_f).wait()

    zeros = jnp.zeros((_L,), jnp.float32)

    @pl.loop(0, _BPW, unroll=8)
    def _phase_zero(b):
        for q in range(_DIM // _L):
            acc_v[b, pl.ds(q * _L, _L)] = zeros

    def _fire(j):
        pltpu.async_copy(w_hbm.at[idx_v.at[j]], acc_v, sem0, add=True)

    def _wait_one():
        pltpu.make_async_copy(w_hbm.at[idx_v.at[0]], acc_v, sem0).wait()

    one = jnp.full((_L,), 1, jnp.int32)
    zero = jnp.full((_L,), 0, jnp.int32)
    iota = lax.iota(jnp.int32, _L)
    rows = [m * _L + iota for m in range(_MB)]

    @pl.loop(0, _N_CHANNELS)
    def _phase_main(c):
        cvec = zero + c
        for i, (r, go) in enumerate(_SC_RES):
            off = c * (r + 1) + go
            row = i * _N_CHANNELS + c
            for m in range(_MB):
                v = plsc.load_gather(feat_v, [rows[m], cvec])
                idx_v[row, pl.ds(m * _L, _L)] = (
                    _bucket_ids(v, r, one, zero) + off)

        @pl.when(c >= _KC)
        def _():
            for _i in range(len(_SC_RES)):
                _wait_one()

        for i in range(len(_SC_RES)):
            _fire(i * _N_CHANNELS + c)

    @pl.loop(0, _KC * len(_SC_RES))
    def _phase_drain(_j):
        _wait_one()

    pltpu.sync_copy(acc_v, out_hbm.at[pl.ds(base, _BPW), :])


_TC_BLK = 128


def _tc_body(feat_ref, w16_ref, out_ref):
    fb = feat_ref[...]
    one = jnp.full(fb.shape, 1, jnp.int32)
    zero = jnp.full(fb.shape, 0, jnp.int32)

    acc = jnp.zeros((_TC_BLK, _DIM), jnp.float32)
    for (r, _go, p), w_ref in zip(_TC_RES, (w16_ref,)):
        kcol = lax.broadcasted_iota(jnp.int32, (1, 1, p), 2)
        a = _bucket_ids(fb, r, one, zero)
        oh = jnp.where(a[:, :, None] == kcol,
                       jnp.float32(1.0), jnp.float32(0.0))
        oh = oh.astype(jnp.bfloat16).reshape(_TC_BLK, _N_CHANNELS * p)
        w = w_ref[...].reshape(_N_CHANNELS * p, _DIM)
        acc = acc + jax.lax.dot_general(
            oh, w, (((1,), (0,)), ((), ())),
            preferred_element_type=jnp.float32)
    out_ref[...] = acc


_tc_onehot = pl.pallas_call(
    _tc_body,
    grid=(_BATCH // _TC_BLK,),
    in_specs=[
        pl.BlockSpec((_TC_BLK, _N_CHANNELS), lambda i: (i, 0)),
        pl.BlockSpec((_N_CHANNELS, _TC_RES[0][2], _DIM), lambda i: (0, 0, 0)),
    ],
    out_specs=pl.BlockSpec((_TC_BLK, _DIM), lambda i: (i, 0)),
    out_shape=jax.ShapeDtypeStruct((_BATCH, _DIM), jnp.float32),
)


def _tc_table(W, r, go, p):
    w = W[go:go + _N_CHANNELS * (r + 1)].astype(jnp.bfloat16)
    w = w.reshape(_N_CHANNELS, r + 1, _DIM)[:, :min(r + 1, p), :]
    if w.shape[1] < p:
        w = jnp.pad(w, ((0, 0), (0, p - w.shape[1]), (0, 0)))
    return w


def kernel(features, W):
    w16 = _tc_table(W, *_TC_RES[0])
    fpad = jnp.pad(features, ((0, 0), (0, _FPAD - _N_CHANNELS)))
    out_sc = _emb_sc(fpad, W)
    out_tc = _tc_onehot(features, w16)
    return out_sc + out_tc

# --- scband reference (transcript-rebuilt; emitter-appended) ---
"""Pipeline reference for scband-multi-res-embedding-6305011990829 (READ-ONLY COPY).

The authoritative reference and input builder live on the scoring server;
editing this copy changes nothing except your own understanding.
"""

import jax, jax.numpy as jnp
import numpy as np

N_CHANNELS = 100
RESOLUTIONS = [16, 64, 256, 1024]
DIM = 64
BATCH = 4096
RES_SIZES = [N_CHANNELS * (r + 1) for r in RESOLUTIONS]
TOTAL_VOCAB = int(sum(RES_SIZES))
GLOBAL_OFFSETS = np.concatenate([[0], np.cumsum(RES_SIZES)[:-1]]).astype(np.int64)


def setup_inputs(seed: int = 0) -> dict:
    key = jax.random.key(seed)
    k1, k2 = jax.random.split(key)
    features = jax.random.uniform(k1, (BATCH, N_CHANNELS), dtype=jnp.float32)
    # EmbeddingBag weight table (learned parameter)
    W = jax.random.normal(k2, (TOTAL_VOCAB, DIM), dtype=jnp.float32) * 0.05
    return {"features": features, "W": W}


def reference(features, W):
    B = features.shape[0]
    idxs = []
    for i, r in enumerate(RESOLUTIONS):
        b = jnp.linspace(0.0, 1.0, r)
        o = jnp.arange(N_CHANNELS, dtype=jnp.int32) * (r + 1)
        # torch.bucketize(right=False): boundaries[i-1] < v <= boundaries[i] == searchsorted side='left'
        idx = jnp.searchsorted(b, features, side='left') + o + int(GLOBAL_OFFSETS[i])
        idxs.append(idx)
    indices = jnp.concatenate(idxs, axis=-1).reshape(B, -1)
    emb = jnp.take(W, indices, axis=0)  # [B, n_channels*n_res, DIM]
    return emb.sum(axis=1)  # EmbeddingBag mode='sum' over each row-bag

if __name__ == "__main__":
    import jax
    _d = setup_inputs()
    print(jax.jit(kernel)(*tuple(_d.values())))

</pallas_src>

<mosaic_0001>
#map = affine_map<(d0, d1) -> (0, 0)>
module attributes {stable_mosaic.version = 14 : i64} {
  func.func @_emb_sc(%arg0: i32, %arg1: i32, %arg2: memref<4096x128xf32, #tpu.memory_space<hbm>>, %arg3: memref<136400x64xf32, #tpu.memory_space<hbm>>, %arg4: memref<4096x64xf32, #tpu.memory_space<hbm>>, %arg5: memref<128x128xf32, #tpu.memory_space<vmem>>, %arg6: memref<300x128xi32, #tpu.memory_space<vmem>>, %arg7: memref<128x64xf32, #tpu.memory_space<vmem>>, %arg8: memref<!tpu.dma_semaphore, #tpu.memory_space<semaphore_mem>>, %arg9: memref<!tpu.dma_semaphore, #tpu.memory_space<semaphore_mem>>) attributes {dimension_semantics = [#tpu.dimension_semantics<core_parallel>, #tpu.dimension_semantics<subcore_parallel>], iteration_bounds = array<i64: 2, 16>, scalar_prefetch = 0 : i64, scratch_operands = 5 : i64, tpu.core_type = #tpu.core_type<sc_vector_subcore>, window_params = [{transform_indices = #map}, {transform_indices = #map}, {transform_indices = #map}]} {
    %mul3A = arith.constant 2 : i32
    %mul3A_0 = arith.muli %arg1, %mul3A : i32
    %add3A = arith.addi %mul3A_0, %arg0 : i32
    %mul3A_1 = arith.constant 128 : i32
    %mul3A_2 = arith.muli %add3A, %mul3A_1 : i32
    %dma_start3A = arith.constant 0 : i32
    %dma_start3A_3 = tpu.memref_slice %arg2[%mul3A_2, %dma_start3A] : memref<4096x128xf32, #tpu.memory_space<hbm>> -> memref<128x128xf32, #tpu.memory_space<hbm>>
    %dma_start3A_4 = arith.constant 0 : i32
    %dma_start3A_5 = tpu.memref_slice %arg2[%mul3A_2, %dma_start3A_4] : memref<4096x128xf32, #tpu.memory_space<hbm>> -> memref<128x128xf32, #tpu.memory_space<hbm>>
    tpu.enqueue_dma source(%dma_start3A_5 : memref<128x128xf32, #tpu.memory_space<hbm>>) target(%arg5 : memref<128x128xf32, #tpu.memory_space<vmem>>) target_semaphore(%arg8 : memref<!tpu.dma_semaphore, #tpu.memory_space<semaphore_mem>>)
    %dma_wait3A = arith.constant 0 : i32
    %dma_wait3A_6 = tpu.memref_slice %arg2[%mul3A_2, %dma_wait3A] : memref<4096x128xf32, #tpu.memory_space<hbm>> -> memref<128x128xf32, #tpu.memory_space<hbm>>
    %dma_wait3A_7 = arith.constant 0 : i32
    %dma_wait3A_8 = tpu.memref_slice %arg2[%mul3A_2, %dma_wait3A_7] : memref<4096x128xf32, #tpu.memory_space<hbm>> -> memref<128x128xf32, #tpu.memory_space<hbm>>
    tpu.wait_dma2 semaphore(%arg8 : memref<!tpu.dma_semaphore, #tpu.memory_space<semaphore_mem>>) src(%dma_wait3A_8 : memref<128x128xf32, #tpu.memory_space<hbm>>) dst(%arg5 : memref<128x128xf32, #tpu.memory_space<vmem>>)
    %broadcast_in_dim3A = arith.constant 0.000000e+00 : f32
    %broadcast_in_dim3A_9 = vector.broadcast %broadcast_in_dim3A : f32 to vector<16xf32>
    %scan3A = arith.constant 0 : i32
    %scan3A_10 = arith.constant 128 : i32
    %scan3A_11 = arith.addi %scan3A, %scan3A_10 : i32
    %scan3A_12 = arith.constant 8 : i32
    scf.for %scan3A_52 = %scan3A to %scan3A_11 step %scan3A_12  : i32 {
      %mul3A_53 = arith.constant 1 : i32
      %mul3A_54 = arith.muli %scan3A_52, %mul3A_53 : i32
      %add3A_55 = arith.constant 0 : i32
      %add3A_56 = arith.addi %add3A_55, %mul3A_54 : i32
      %swap3A = arith.index_cast %add3A_56 : i32 to index
      %swap3A_57 = arith.constant 0 : index
      %swap3A_58 = tpu.vector_load %arg7[%swap3A, %swap3A_57] {strides = array<i32>} : memref<128x64xf32, #tpu.memory_space<vmem>>, vector<16xf32>,
      tpu.vector_store %arg7[%swap3A, %swap3A_57], %broadcast_in_dim3A_9 {strides = array<i32>} : memref<128x64xf32, #tpu.memory_space<vmem>>, vector<16xf32>,
      %swap3A_59 = arith.index_cast %add3A_56 : i32 to index
      %swap3A_60 = arith.constant 16 : index
      %swap3A_61 = tpu.vector_load %arg7[%swap3A_59, %swap3A_60] {strides = array<i32>} : memref<128x64xf32, #tpu.memory_space<vmem>>, vector<16xf32>,
      tpu.vector_store %arg7[%swap3A_59, %swap3A_60], %broadcast_in_dim3A_9 {strides = array<i32>} : memref<128x64xf32, #tpu.memory_space<vmem>>, vector<16xf32>,
      %swap3A_62 = arith.index_cast %add3A_56 : i32 to index
      %swap3A_63 = arith.constant 32 : index
      %swap3A_64 = tpu.vector_load %arg7[%swap3A_62, %swap3A_63] {strides = array<i32>} : memref<128x64xf32, #tpu.memory_space<vmem>>, vector<16xf32>,
      tpu.vector_store %arg7[%swap3A_62, %swap3A_63], %broadcast_in_dim3A_9 {strides = array<i32>} : memref<128x64xf32, #tpu.memory_space<vmem>>, vector<16xf32>,
      %swap3A_65 = arith.index_cast %add3A_56 : i32 to index
      %swap3A_66 = arith.constant 48 : index
      %swap3A_67 = tpu.vector_load %arg7[%swap3A_65, %swap3A_66] {strides = array<i32>} : memref<128x64xf32, #tpu.memory_space<vmem>>, vector<16xf32>,
      tpu.vector_store %arg7[%swap3A_65, %swap3A_66], %broadcast_in_dim3A_9 {strides = array<i32>} : memref<128x64xf32, #tpu.memory_space<vmem>>, vector<16xf32>,
      %scan3A_68 = arith.constant 1 : i32
      %scan3A_69 = arith.addi %scan3A_52, %scan3A_68 : i32
      %mul3A_70 = arith.constant 1 : i32
      %mul3A_71 = arith.muli %scan3A_69, %mul3A_70 : i32
      %add3A_72 = arith.constant 0 : i32
      %add3A_73 = arith.addi %add3A_72, %mul3A_71 : i32
      %swap3A_74 = arith.index_cast %add3A_73 : i32 to index
      %swap3A_75 = arith.constant 0 : index
      %swap3A_76 = tpu.vector_load %arg7[%swap3A_74, %swap3A_75] {strides = array<i32>} : memref<128x64xf32, #tpu.memory_space<vmem>>, vector<16xf32>,
      tpu.vector_store %arg7[%swap3A_74, %swap3A_75], %broadcast_in_dim3A_9 {strides = array<i32>} : memref<128x64xf32, #tpu.memory_space<vmem>>, vector<16xf32>,
      %swap3A_77 = arith.index_cast %add3A_73 : i32 to index
      %swap3A_78 = arith.constant 16 : index
      %swap3A_79 = tpu.vector_load %arg7[%swap3A_77, %swap3A_78] {strides = array<i32>} : memref<128x64xf32, #tpu.memory_space<vmem>>, vector<16xf32>,
      tpu.vector_store %arg7[%swap3A_77, %swap3A_78], %broadcast_in_dim3A_9 {strides = array<i32>} : memref<128x64xf32, #tpu.memory_space<vmem>>, vector<16xf32>,
      %swap3A_80 = arith.index_cast %add3A_73 : i32 to index
      %swap3A_81 = arith.constant 32 : index
      %swap3A_82 = tpu.vector_load %arg7[%swap3A_80, %swap3A_81] {strides = array<i32>} : memref<128x64xf32, #tpu.memory_space<vmem>>, vector<16xf32>,
      tpu.vector_store %arg7[%swap3A_80, %swap3A_81], %broadcast_in_dim3A_9 {strides = array<i32>} : memref<128x64xf32, #tpu.memory_space<vmem>>, vector<16xf32>,
      %swap3A_83 = arith.index_cast %add3A_73 : i32 to index
      %swap3A_84 = arith.constant 48 : index
      %swap3A_85 = tpu.vector_load %arg7[%swap3A_83, %swap3A_84] {strides = array<i32>} : memref<128x64xf32, #tpu.memory_space<vmem>>, vector<16xf32>,
      tpu.vector_store %arg7[%swap3A_83, %swap3A_84], %broadcast_in_dim3A_9 {strides = array<i32>} : memref<128x64xf32, #tpu.memory_space<vmem>>, vector<16xf32>,
      %scan3A_86 = arith.constant 2 : i32
      %scan3A_87 = arith.addi %scan3A_52, %scan3A_86 : i32
      %mul3A_88 = arith.constant 1 : i32
      %mul3A_89 = arith.muli %scan3A_87, %mul3A_88 : i32
      %add3A_90 = arith.constant 0 : i32
      %add3A_91 = arith.addi %add3A_90, %mul3A_89 : i32
      %swap3A_92 = arith.index_cast %add3A_91 : i32 to index
      %swap3A_93 = arith.constant 0 : index
      %swap3A_94 = tpu.vector_load %arg7[%swap3A_92, %swap3A_93] {strides = array<i32>} : memref<128x64xf32, #tpu.memory_space<vmem>>, vector<16xf32>,
      tpu.vector_store %arg7[%swap3A_92, %swap3A_93], %broadcast_in_dim3A_9 {strides = array<i32>} : memref<128x64xf32, #tpu.memory_space<vmem>>, vector<16xf32>,
      %swap3A_95 = arith.index_cast %add3A_91 : i32 to index
      %swap3A_96 = arith.constant 16 : index
      %swap3A_97 = tpu.vector_load %arg7[%swap3A_95, %swap3A_96] {strides = array<i32>} : memref<128x64xf32, #tpu.memory_space<vmem>>, vector<16xf32>,
      tpu.vector_store %arg7[%swap3A_95, %swap3A_96], %broadcast_in_dim3A_9 {strides = array<i32>} : memref<128x64xf32, #tpu.memory_space<vmem>>, vector<16xf32>,
      %swap3A_98 = arith.index_cast %add3A_91 : i32 to index
      %swap3A_99 = arith.constant 32 : index
      %swap3A_100 = tpu.vector_load %arg7[%swap3A_98, %swap3A_99] {strides = array<i32>} : memref<128x64xf32, #tpu.memory_space<vmem>>, vector<16xf32>,
      tpu.vector_store %arg7[%swap3A_98, %swap3A_99], %broadcast_in_dim3A_9 {strides = array<i32>} : memref<128x64xf32, #tpu.memory_space<vmem>>, vector<16xf32>,
      %swap3A_101 = arith.index_cast %add3A_91 : i32 to index
      %swap3A_102 = arith.constant 48 : index
      %swap3A_103 = tpu.vector_load %arg7[%swap3A_101, %swap3A_102] {strides = array<i32>} : memref<128x64xf32, #tpu.memory_space<vmem>>, vector<16xf32>,
      tpu.vector_store %arg7[%swap3A_101, %swap3A_102], %broadcast_in_dim3A_9 {strides = array<i32>} : memref<128x64xf32, #tpu.memory_space<vmem>>, vector<16xf32>,
      %scan3A_104 = arith.constant 3 : i32
      %scan3A_105 = arith.addi %scan3A_52, %scan3A_104 : i32
      %mul3A_106 = arith.constant 1 : i32
      %mul3A_107 = arith.muli %scan3A_105, %mul3A_106 : i32
      %add3A_108 = arith.constant 0 : i32
      %add3A_109 = arith.addi %add3A_108, %mul3A_107 : i32
      %swap3A_110 = arith.index_cast %add3A_109 : i32 to index
      %swap3A_111 = arith.constant 0 : index
      %swap3A_112 = tpu.vector_load %arg7[%swap3A_110, %swap3A_111] {strides = array<i32>} : memref<128x64xf32, #tpu.memory_space<vmem>>, vector<16xf32>,
      tpu.vector_store %arg7[%swap3A_110, %swap3A_111], %broadcast_in_dim3A_9 {strides = array<i32>} : memref<128x64xf32, #tpu.memory_space<vmem>>, vector<16xf32>,
      %swap3A_113 = arith.index_cast %add3A_109 : i32 to index
      %swap3A_114 = arith.constant 16 : index
      %swap3A_115 = tpu.vector_load %arg7[%swap3A_113, %swap3A_114] {strides = array<i32>} : memref<128x64xf32, #tpu.memory_space<vmem>>, vector<16xf32>,
      tpu.vector_store %arg7[%swap3A_113, %swap3A_114], %broadcast_in_dim3A_9 {strides = array<i32>} : memref<128x64xf32, #tpu.memory_space<vmem>>, vector<16xf32>,
      %swap3A_116 = arith.index_cast %add3A_109 : i32 to index
      %swap3A_117 = arith.constant 32 : index
      %swap3A_118 = tpu.vector_load %arg7[%swap3A_116, %swap3A_117] {strides = array<i32>} : memref<128x64xf32, #tpu.memory_space<vmem>>, vector<16xf32>,
      tpu.vector_store %arg7[%swap3A_116, %swap3A_117], %broadcast_in_dim3A_9 {strides = array<i32>} : memref<128x64xf32, #tpu.memory_space<vmem>>, vector<16xf32>,
      %swap3A_119 = arith.index_cast %add3A_109 : i32 to index
      %swap3A_120 = arith.constant 48 : index
      %swap3A_121 = tpu.vector_load %arg7[%swap3A_119, %swap3A_120] {strides = array<i32>} : memref<128x64xf32, #tpu.memory_space<vmem>>, vector<16xf32>,
      tpu.vector_store %arg7[%swap3A_119, %swap3A_120], %broadcast_in_dim3A_9 {strides = array<i32>} : memref<128x64xf32, #tpu.memory_space<vmem>>, vector<16xf32>,
      %scan3A_122 = arith.constant 4 : i32
      %scan3A_123 = arith.addi %scan3A_52, %scan3A_122 : i32
      %mul3A_124 = arith.constant 1 : i32
      %mul3A_125 = arith.muli %scan3A_123, %mul3A_124 : i32
      %add3A_126 = arith.constant 0 : i32
      %add3A_127 = arith.addi %add3A_126, %mul3A_125 : i32
      %swap3A_128 = arith.index_cast %add3A_127 : i32 to index
      %swap3A_129 = arith.constant 0 : index
      %swap3A_130 = tpu.vector_load %arg7[%swap3A_128, %swap3A_129] {strides = array<i32>} : memref<128x64xf32, #tpu.memory_space<vmem>>, vector<16xf32>,
      tpu.vector_store %arg7[%swap3A_128, %swap3A_129], %broadcast_in_dim3A_9 {strides = array<i32>} : memref<128x64xf32, #tpu.memory_space<vmem>>, vector<16xf32>,
      %swap3A_131 = arith.index_cast %add3A_127 : i32 to index
      %swap3A_132 = arith.constant 16 : index
      %swap3A_133 = tpu.vector_load %arg7[%swap3A_131, %swap3A_132] {strides = array<i32>} : memref<128x64xf32, #tpu.memory_space<vmem>>, vector<16xf32>,
      tpu.vector_store %arg7[%swap3A_131, %swap3A_132], %broadcast_in_dim3A_9 {strides = array<i32>} : memref<128x64xf32, #tpu.memory_space<vmem>>, vector<16xf32>,
      %swap3A_134 = arith.index_cast %add3A_127 : i32 to index
      %swap3A_135 = arith.constant 32 : index
      %swap3A_136 = tpu.vector_load %arg7[%swap3A_134, %swap3A_135] {strides = array<i32>} : memref<128x64xf32, #tpu.memory_space<vmem>>, vector<16xf32>,
      tpu.vector_store %arg7[%swap3A_134, %swap3A_135], %broadcast_in_dim3A_9 {strides = array<i32>} : memref<128x64xf32, #tpu.memory_space<vmem>>, vector<16xf32>,
      %swap3A_137 = arith.index_cast %add3A_127 : i32 to index
      %swap3A_138 = arith.constant 48 : index
      %swap3A_139 = tpu.vector_load %arg7[%swap3A_137, %swap3A_138] {strides = array<i32>} : memref<128x64xf32, #tpu.memory_space<vmem>>, vector<16xf32>,
      tpu.vector_store %arg7[%swap3A_137, %swap3A_138], %broadcast_in_dim3A_9 {strides = array<i32>} : memref<128x64xf32, #tpu.memory_space<vmem>>, vector<16xf32>,
      %scan3A_140 = arith.constant 5 : i32
      %scan3A_141 = arith.addi %scan3A_52, %scan3A_140 : i32
      %mul3A_142 = arith.constant 1 : i32
      %mul3A_143 = arith.muli %scan3A_141, %mul3A_142 : i32
      %add3A_144 = arith.constant 0 : i32
      %add3A_145 = arith.addi %add3A_144, %mul3A_143 : i32
      %swap3A_146 = arith.index_cast %add3A_145 : i32 to index
      %swap3A_147 = arith.constant 0 : index
      %swap3A_148 = tpu.vector_load %arg7[%swap3A_146, %swap3A_147] {strides = array<i32>} : memref<128x64xf32, #tpu.memory_space<vmem>>, vector<16xf32>,
      tpu.vector_store %arg7[%swap3A_146, %swap3A_147], %broadcast_in_dim3A_9 {strides = array<i32>} : memref<128x64xf32, #tpu.memory_space<vmem>>, vector<16xf32>,
      %swap3A_149 = arith.index_cast %add3A_145 : i32 to index
      %swap3A_150 = arith.constant 16 : index
      %swap3A_151 = tpu.vector_load %arg7[%swap3A_149, %swap3A_150] {strides = array<i32>} : memref<128x64xf32, #tpu.memory_space<vmem>>, vector<16xf32>,
      tpu.vector_store %arg7[%swap3A_149, %swap3A_150], %broadcast_in_dim3A_9 {strides = array<i32>} : memref<128x64xf32, #tpu.memory_space<vmem>>, vector<16xf32>,
      %swap3A_152 = arith.index_cast %add3A_145 : i32 to index
      %swap3A_153 = arith.constant 32 : index
      %swap3A_154 = tpu.vector_load %arg7[%swap3A_152, %swap3A_153] {strides = array<i32>} : memref<128x64xf32, #tpu.memory_space<vmem>>, vector<16xf32>,
      tpu.vector_store %arg7[%swap3A_152, %swap3A_153], %broadcast_in_dim3A_9 {strides = array<i32>} : memref<128x64xf32, #tpu.memory_space<vmem>>, vector<16xf32>,
      %swap3A_155 = arith.index_cast %add3A_145 : i32 to index
      %swap3A_156 = arith.constant 48 : index
      %swap3A_157 = tpu.vector_load %arg7[%swap3A_155, %swap3A_156] {strides = array<i32>} : memref<128x64xf32, #tpu.memory_space<vmem>>, vector<16xf32>,
      tpu.vector_store %arg7[%swap3A_155, %swap3A_156], %broadcast_in_dim3A_9 {strides = array<i32>} : memref<128x64xf32, #tpu.memory_space<vmem>>, vector<16xf32>,
      %scan3A_158 = arith.constant 6 : i32
      %scan3A_159 = arith.addi %scan3A_52, %scan3A_158 : i32
      %mul3A_160 = arith.constant 1 : i32
      %mul3A_161 = arith.muli %scan3A_159, %mul3A_160 : i32
      %add3A_162 = arith.constant 0 : i32
      %add3A_163 = arith.addi %add3A_162, %mul3A_161 : i32
      %swap3A_164 = arith.index_cast %add3A_163 : i32 to index
      %swap3A_165 = arith.constant 0 : index
      %swap3A_166 = tpu.vector_load %arg7[%swap3A_164, %swap3A_165] {strides = array<i32>} : memref<128x64xf32, #tpu.memory_space<vmem>>, vector<16xf32>,
      tpu.vector_store %arg7[%swap3A_164, %swap3A_165], %broadcast_in_dim3A_9 {strides = array<i32>} : memref<128x64xf32, #tpu.memory_space<vmem>>, vector<16xf32>,
      %swap3A_167 = arith.index_cast %add3A_163 : i32 to index
      %swap3A_168 = arith.constant 16 : index
      %swap3A_169 = tpu.vector_load %arg7[%swap3A_167, %swap3A_168] {strides = array<i32>} : memref<128x64xf32, #tpu.memory_space<vmem>>, vector<16xf32>,
      tpu.vector_store %arg7[%swap3A_167, %swap3A_168], %broadcast_in_dim3A_9 {strides = array<i32>} : memref<128x64xf32, #tpu.memory_space<vmem>>, vector<16xf32>,
      %swap3A_170 = arith.index_cast %add3A_163 : i32 to index
      %swap3A_171 = arith.constant 32 : index
      %swap3A_172 = tpu.vector_load %arg7[%swap3A_170, %swap3A_171] {strides = array<i32>} : memref<128x64xf32, #tpu.memory_space<vmem>>, vector<16xf32>,
      tpu.vector_store %arg7[%swap3A_170, %swap3A_171], %broadcast_in_dim3A_9 {strides = array<i32>} : memref<128x64xf32, #tpu.memory_space<vmem>>, vector<16xf32>,
      %swap3A_173 = arith.index_cast %add3A_163 : i32 to index
      %swap3A_174 = arith.constant 48 : index
      %swap3A_175 = tpu.vector_load %arg7[%swap3A_173, %swap3A_174] {strides = array<i32>} : memref<128x64xf32, #tpu.memory_space<vmem>>, vector<16xf32>,
      tpu.vector_store %arg7[%swap3A_173, %swap3A_174], %broadcast_in_dim3A_9 {strides = array<i32>} : memref<128x64xf32, #tpu.memory_space<vmem>>, vector<16xf32>,
      %scan3A_176 = arith.constant 7 : i32
      %scan3A_177 = arith.addi %scan3A_52, %scan3A_176 : i32
      %mul3A_178 = arith.constant 1 : i32
      %mul3A_179 = arith.muli %scan3A_177, %mul3A_178 : i32
      %add3A_180 = arith.constant 0 : i32
      %add3A_181 = arith.addi %add3A_180, %mul3A_179 : i32
      %swap3A_182 = arith.index_cast %add3A_181 : i32 to index
      %swap3A_183 = arith.constant 0 : index
      %swap3A_184 = tpu.vector_load %arg7[%swap3A_182, %swap3A_183] {strides = array<i32>} : memref<128x64xf32, #tpu.memory_space<vmem>>, vector<16xf32>,
      tpu.vector_store %arg7[%swap3A_182, %swap3A_183], %broadcast_in_dim3A_9 {strides = array<i32>} : memref<128x64xf32, #tpu.memory_space<vmem>>, vector<16xf32>,
      %swap3A_185 = arith.index_cast %add3A_181 : i32 to index
      %swap3A_186 = arith.constant 16 : index
      %swap3A_187 = tpu.vector_load %arg7[%swap3A_185, %swap3A_186] {strides = array<i32>} : memref<128x64xf32, #tpu.memory_space<vmem>>, vector<16xf32>,
      tpu.vector_store %arg7[%swap3A_185, %swap3A_186], %broadcast_in_dim3A_9 {strides = array<i32>} : memref<128x64xf32, #tpu.memory_space<vmem>>, vector<16xf32>,
      %swap3A_188 = arith.index_cast %add3A_181 : i32 to index
      %swap3A_189 = arith.constant 32 : index
      %swap3A_190 = tpu.vector_load %arg7[%swap3A_188, %swap3A_189] {strides = array<i32>} : memref<128x64xf32, #tpu.memory_space<vmem>>, vector<16xf32>,
      tpu.vector_store %arg7[%swap3A_188, %swap3A_189], %broadcast_in_dim3A_9 {strides = array<i32>} : memref<128x64xf32, #tpu.memory_space<vmem>>, vector<16xf32>,
      %swap3A_191 = arith.index_cast %add3A_181 : i32 to index
      %swap3A_192 = arith.constant 48 : index
      %swap3A_193 = tpu.vector_load %arg7[%swap3A_191, %swap3A_192] {strides = array<i32>} : memref<128x64xf32, #tpu.memory_space<vmem>>, vector<16xf32>,
      tpu.vector_store %arg7[%swap3A_191, %swap3A_192], %broadcast_in_dim3A_9 {strides = array<i32>} : memref<128x64xf32, #tpu.memory_space<vmem>>, vector<16xf32>,
    }
    %scan3A_13 = arith.constant 128 : i32
    %broadcast_in_dim3A_14 = arith.constant 1 : i32
    %broadcast_in_dim3A_15 = vector.broadcast %broadcast_in_dim3A_14 : i32 to vector<16xi32>
    %broadcast_in_dim3A_16 = arith.constant 0 : i32
    %broadcast_in_dim3A_17 = vector.broadcast %broadcast_in_dim3A_16 : i32 to vector<16xi32>
    %iota3A = tpu.iota {dimensions = array<i32: 0>} : vector<16xi32>
    %add3A_18 = arith.constant 0 : i32
    %add3A_19 = vector.broadcast %add3A_18 : i32 to vector<16xi32>
    %add3A_20 = arith.addi %add3A_19, %iota3A : vector<16xi32>
    %add3A_21 = arith.constant 16 : i32
    %add3A_22 = vector.broadcast %add3A_21 : i32 to vector<16xi32>
    %add3A_23 = arith.addi %add3A_22, %iota3A : vector<16xi32>
    %add3A_24 = arith.constant 32 : i32
    %add3A_25 = vector.broadcast %add3A_24 : i32 to vector<16xi32>
    %add3A_26 = arith.addi %add3A_25, %iota3A : vector<16xi32>
    %add3A_27 = arith.constant 48 : i32
    %add3A_28 = vector.broadcast %add3A_27 : i32 to vector<16xi32>
    %add3A_29 = arith.addi %add3A_28, %iota3A : vector<16xi32>
    %add3A_30 = arith.constant 64 : i32
    %add3A_31 = vector.broadcast %add3A_30 : i32 to vector<16xi32>
    %add3A_32 = arith.addi %add3A_31, %iota3A : vector<16xi32>
    %add3A_33 = arith.constant 80 : i32
    %add3A_34 = vector.broadcast %add3A_33 : i32 to vector<16xi32>
    %add3A_35 = arith.addi %add3A_34, %iota3A : vector<16xi32>
    %add3A_36 = arith.constant 96 : i32
    %add3A_37 = vector.broadcast %add3A_36 : i32 to vector<16xi32>
    %add3A_38 = arith.addi %add3A_37, %iota3A : vector<16xi32>
    %add3A_39 = arith.constant 112 : i32
    %add3A_40 = vector.broadcast %add3A_39 : i32 to vector<16xi32>
    %add3A_41 = arith.addi %add3A_40, %iota3A : vector<16xi32>
    %scan3A_42 = arith.constant 0 : i32
    %scan3A_43 = arith.constant 100 : i32
    %scan3A_44 = arith.addi %scan3A_42, %scan3A_43 : i32
    %scan3A_45 = arith.constant 1 : i32
    scf.for %scan3A_52 = %scan3A_42 to %scan3A_44 step %scan3A_45  : i32 {
      %mul3A_53 = arith.constant 1 : i32
      %mul3A_54 = arith.muli %scan3A_52, %mul3A_53 : i32
      %add3A_55 = arith.constant 0 : i32
      %add3A_56 = arith.addi %add3A_55, %mul3A_54 : i32
      %add3A_57 = vector.broadcast %add3A_56 : i32 to vector<16xi32>
      %add3A_58 = arith.addi %broadcast_in_dim3A_17, %add3A_57 : vector<16xi32>
      %mul3A_59 = arith.constant 65 : i32
      %mul3A_60 = arith.muli %add3A_56, %mul3A_59 : i32
      %add3A_61 = arith.constant 1700 : i32
      %add3A_62 = arith.addi %mul3A_60, %add3A_61 : i32
      %add3A_63 = arith.constant 0 : i32
      %add3A_64 = arith.addi %add3A_63, %add3A_56 : i32
      %gather3A = tpu.vector_load_idx %arg5[%add3A_20, %add3A_58] : memref<128x128xf32, #tpu.memory_space<vmem>>[vector<16xi32>, vector<16xi32>], vector<16xf32>,
      %div3A = arith.constant 1.000000e+00 : f32
      %div3A_65 = arith.constant 6.300000e+01 : f32
      %div3A_66 = arith.divf %div3A, %div3A_65 : f32
      %mul3A_67 = arith.constant 6.300000e+01 : f32
      %mul3A_68 = vector.broadcast %mul3A_67 : f32 to vector<16xf32>
      %mul3A_69 = arith.mulf %gather3A, %mul3A_68 : vector<16xf32>
      %convert_element_type3A = arith.fptosi %mul3A_69 : vector<16xf32> to vector<16xi32>
      %convert_element_type3A_70 = arith.sitofp %convert_element_type3A : vector<16xi32> to vector<16xf32>
      %gt3A = arith.cmpf ogt, %mul3A_69, %convert_element_type3A_70 : vector<16xf32>
      %select_n3A = arith.select %gt3A, %broadcast_in_dim3A_15, %broadcast_in_dim3A_17 : vector<16xi1>, vector<16xi32>
      %add3A_71 = arith.addi %convert_element_type3A, %select_n3A : vector<16xi32>
      %min3A = arith.constant 63 : i32
      %min3A_72 = vector.broadcast %min3A : i32 to vector<16xi32>
      %min3A_73 = arith.minsi %add3A_71, %min3A_72 : vector<16xi32>
      %sub3A = arith.constant 1 : i32
      %sub3A_74 = vector.broadcast %sub3A : i32 to vector<16xi32>
      %sub3A_75 = arith.subi %min3A_73, %sub3A_74 : vector<16xi32>
      %lt3A = arith.constant 0 : i32
      %lt3A_76 = vector.broadcast %lt3A : i32 to vector<16xi32>
      %lt3A_77 = arith.cmpi slt, %sub3A_75, %lt3A_76 : vector<16xi32>
      %convert_element_type3A_78 = arith.sitofp %sub3A_75 : vector<16xi32> to vector<16xf32>
      %mul3A_79 = vector.broadcast %div3A_66 : f32 to vector<16xf32>
      %mul3A_80 = arith.mulf %convert_element_type3A_78, %mul3A_79 : vector<16xf32>
      %jit3A = arith.constant -1.000000e+00 : f32
      %broadcast_in_dim3A_81 = vector.broadcast %jit3A : f32 to vector<16xf32>
      %select_n3A_82 = arith.select %lt3A_77, %broadcast_in_dim3A_81, %mul3A_80 : vector<16xi1>, vector<16xf32>
      %eq3A = arith.constant 63 : i32
      %eq3A_83 = vector.broadcast %eq3A : i32 to vector<16xi32>
      %eq3A_84 = arith.cmpi eq, %min3A_73, %eq3A_83 : vector<16xi32>
      %convert_element_type3A_85 = arith.sitofp %min3A_73 : vector<16xi32> to vector<16xf32>
      %mul3A_86 = vector.broadcast %div3A_66 : f32 to vector<16xf32>
      %mul3A_87 = arith.mulf %convert_element_type3A_85, %mul3A_86 : vector<16xf32>
      %jit3A_88 = arith.constant 1.000000e+00 : f32
      %broadcast_in_dim3A_89 = vector.broadcast %jit3A_88 : f32 to vector<16xf32>
      %select_n3A_90 = arith.select %eq3A_84, %broadcast_in_dim3A_89, %mul3A_87 : vector<16xi1>, vector<16xf32>
      %lt3A_91 = arith.cmpf olt, %select_n3A_82, %gather3A : vector<16xf32>
      %select_n3A_92 = arith.select %lt3A_91, %broadcast_in_dim3A_15, %broadcast_in_dim3A_17 : vector<16xi1>, vector<16xi32>
      %add3A_93 = arith.addi %sub3A_75, %select_n3A_92 : vector<16xi32>
      %lt3A_94 = arith.cmpf olt, %select_n3A_90, %gather3A : vector<16xf32>
      %select_n3A_95 = arith.select %lt3A_94, %broadcast_in_dim3A_15, %broadcast_in_dim3A_17 : vector<16xi1>, vector<16xi32>
      %add3A_96 = arith.addi %add3A_93, %select_n3A_95 : vector<16xi32>
      %add3A_97 = vector.broadcast %add3A_62 : i32 to vector<16xi32>
      %add3A_98 = arith.addi %add3A_96, %add3A_97 : vector<16xi32>
      %swap3A = arith.index_cast %add3A_64 : i32 to index
      %swap3A_99 = arith.constant 0 : index
      %swap3A_100 = tpu.vector_load %arg6[%swap3A, %swap3A_99] {strides = array<i32>} : memref<300x128xi32, #tpu.memory_space<vmem>>, vector<16xi32>,
      tpu.vector_store %arg6[%swap3A, %swap3A_99], %add3A_98 {strides = array<i32>} : memref<300x128xi32, #tpu.memory_space<vmem>>, vector<16xi32>,
      %gather3A_101 = tpu.vector_load_idx %arg5[%add3A_23, %add3A_58] : memref<128x128xf32, #tpu.memory_space<vmem>>[vector<16xi32>, vector<16xi32>], vector<16xf32>,
      %div3A_102 = arith.constant 1.000000e+00 : f32
      %div3A_103 = arith.constant 6.300000e+01 : f32
      %div3A_104 = arith.divf %div3A_102, %div3A_103 : f32
      %mul3A_105 = arith.constant 6.300000e+01 : f32
      %mul3A_106 = vector.broadcast %mul3A_105 : f32 to vector<16xf32>
      %mul3A_107 = arith.mulf %gather3A_101, %mul3A_106 : vector<16xf32>
      %convert_element_type3A_108 = arith.fptosi %mul3A_107 : vector<16xf32> to vector<16xi32>
      %convert_element_type3A_109 = arith.sitofp %convert_element_type3A_108 : vector<16xi32> to vector<16xf32>
      %gt3A_110 = arith.cmpf ogt, %mul3A_107, %convert_element_type3A_109 : vector<16xf32>
      %select_n3A_111 = arith.select %gt3A_110, %broadcast_in_dim3A_15, %broadcast_in_dim3A_17 : vector<16xi1>, vector<16xi32>
      %add3A_112 = arith.addi %convert_element_type3A_108, %select_n3A_111 : vector<16xi32>
      %min3A_113 = arith.constant 63 : i32
      %min3A_114 = vector.broadcast %min3A_113 : i32 to vector<16xi32>
      %min3A_115 = arith.minsi %add3A_112, %min3A_114 : vector<16xi32>
      %sub3A_116 = arith.constant 1 : i32
      %sub3A_117 = vector.broadcast %sub3A_116 : i32 to vector<16xi32>
      %sub3A_118 = arith.subi %min3A_115, %sub3A_117 : vector<16xi32>
      %lt3A_119 = arith.constant 0 : i32
      %lt3A_120 = vector.broadcast %lt3A_119 : i32 to vector<16xi32>
      %lt3A_121 = arith.cmpi slt, %sub3A_118, %lt3A_120 : vector<16xi32>
      %convert_element_type3A_122 = arith.sitofp %sub3A_118 : vector<16xi32> to vector<16xf32>
      %mul3A_123 = vector.broadcast %div3A_104 : f32 to vector<16xf32>
      %mul3A_124 = arith.mulf %convert_element_type3A_122, %mul3A_123 : vector<16xf32>
      %jit3A_125 = arith.constant -1.000000e+00 : f32
      %broadcast_in_dim3A_126 = vector.broadcast %jit3A_125 : f32 to vector<16xf32>
      %select_n3A_127 = arith.select %lt3A_121, %broadcast_in_dim3A_126, %mul3A_124 : vector<16xi1>, vector<16xf32>
      %eq3A_128 = arith.constant 63 : i32
      %eq3A_129 = vector.broadcast %eq3A_128 : i32 to vector<16xi32>
      %eq3A_130 = arith.cmpi eq, %min3A_115, %eq3A_129 : vector<16xi32>
      %convert_element_type3A_131 = arith.sitofp %min3A_115 : vector<16xi32> to vector<16xf32>
      %mul3A_132 = vector.broadcast %div3A_104 : f32 to vector<16xf32>
      %mul3A_133 = arith.mulf %convert_element_type3A_131, %mul3A_132 : vector<16xf32>
      %jit3A_134 = arith.constant 1.000000e+00 : f32
      %broadcast_in_dim3A_135 = vector.broadcast %jit3A_134 : f32 to vector<16xf32>
      %select_n3A_136 = arith.select %eq3A_130, %broadcast_in_dim3A_135, %mul3A_133 : vector<16xi1>, vector<16xf32>
      %lt3A_137 = arith.cmpf olt, %select_n3A_127, %gather3A_101 : vector<16xf32>
      %select_n3A_138 = arith.select %lt3A_137, %broadcast_in_dim3A_15, %broadcast_in_dim3A_17 : vector<16xi1>, vector<16xi32>
      %add3A_139 = arith.addi %sub3A_118, %select_n3A_138 : vector<16xi32>
      %lt3A_140 = arith.cmpf olt, %select_n3A_136, %gather3A_101 : vector<16xf32>
      %select_n3A_141 = arith.select %lt3A_140, %broadcast_in_dim3A_15, %broadcast_in_dim3A_17 : vector<16xi1>, vector<16xi32>
      %add3A_142 = arith.addi %add3A_139, %select_n3A_141 : vector<16xi32>
      %add3A_143 = vector.broadcast %add3A_62 : i32 to vector<16xi32>
      %add3A_144 = arith.addi %add3A_142, %add3A_143 : vector<16xi32>
      %swap3A_145 = arith.index_cast %add3A_64 : i32 to index
      %swap3A_146 = arith.constant 16 : index
      %swap3A_147 = tpu.vector_load %arg6[%swap3A_145, %swap3A_146] {strides = array<i32>} : memref<300x128xi32, #tpu.memory_space<vmem>>, vector<16xi32>,
      tpu.vector_store %arg6[%swap3A_145, %swap3A_146], %add3A_144 {strides = array<i32>} : memref<300x128xi32, #tpu.memory_space<vmem>>, vector<16xi32>,
      %gather3A_148 = tpu.vector_load_idx %arg5[%add3A_26, %add3A_58] : memref<128x128xf32, #tpu.memory_space<vmem>>[vector<16xi32>, vector<16xi32>], vector<16xf32>,
      %div3A_149 = arith.constant 1.000000e+00 : f32
      %div3A_150 = arith.constant 6.300000e+01 : f32
      %div3A_151 = arith.divf %div3A_149, %div3A_150 : f32
      %mul3A_152 = arith.constant 6.300000e+01 : f32
      %mul3A_153 = vector.broadcast %mul3A_152 : f32 to vector<16xf32>
      %mul3A_154 = arith.mulf %gather3A_148, %mul3A_153 : vector<16xf32>
      %convert_element_type3A_155 = arith.fptosi %mul3A_154 : vector<16xf32> to vector<16xi32>
      %convert_element_type3A_156 = arith.sitofp %convert_element_type3A_155 : vector<16xi32> to vector<16xf32>
      %gt3A_157 = arith.cmpf ogt, %mul3A_154, %convert_element_type3A_156 : vector<16xf32>
      %select_n3A_158 = arith.select %gt3A_157, %broadcast_in_dim3A_15, %broadcast_in_dim3A_17 : vector<16xi1>, vector<16xi32>
      %add3A_159 = arith.addi %convert_element_type3A_155, %select_n3A_158 : vector<16xi32>
      %min3A_160 = arith.constant 63 : i32
      %min3A_161 = vector.broadcast %min3A_160 : i32 to vector<16xi32>
      %min3A_162 = arith.minsi %add3A_159, %min3A_161 : vector<16xi32>
      %sub3A_163 = arith.constant 1 : i32
      %sub3A_164 = vector.broadcast %sub3A_163 : i32 to vector<16xi32>
      %sub3A_165 = arith.subi %min3A_162, %sub3A_164 : vector<16xi32>
      %lt3A_166 = arith.constant 0 : i32
      %lt3A_167 = vector.broadcast %lt3A_166 : i32 to vector<16xi32>
      %lt3A_168 = arith.cmpi slt, %sub3A_165, %lt3A_167 : vector<16xi32>
      %convert_element_type3A_169 = arith.sitofp %sub3A_165 : vector<16xi32> to vector<16xf32>
      %mul3A_170 = vector.broadcast %div3A_151 : f32 to vector<16xf32>
      %mul3A_171 = arith.mulf %convert_element_type3A_169, %mul3A_170 : vector<16xf32>
      %jit3A_172 = arith.constant -1.000000e+00 : f32
      %broadcast_in_dim3A_173 = vector.broadcast %jit3A_172 : f32 to vector<16xf32>
      %select_n3A_174 = arith.select %lt3A_168, %broadcast_in_dim3A_173, %mul3A_171 : vector<16xi1>, vector<16xf32>
      %eq3A_175 = arith.constant 63 : i32
      %eq3A_176 = vector.broadcast %eq3A_175 : i32 to vector<16xi32>
      %eq3A_177 = arith.cmpi eq, %min3A_162, %eq3A_176 : vector<16xi32>
      %convert_element_type3A_178 = arith.sitofp %min3A_162 : vector<16xi32> to vector<16xf32>
      %mul3A_179 = vector.broadcast %div3A_151 : f32 to vector<16xf32>
      %mul3A_180 = arith.mulf %convert_element_type3A_178, %mul3A_179 : vector<16xf32>
      %jit3A_181 = arith.constant 1.000000e+00 : f32
      %broadcast_in_dim3A_182 = vector.broadcast %jit3A_181 : f32 to vector<16xf32>
      %select_n3A_183 = arith.select %eq3A_177, %broadcast_in_dim3A_182, %mul3A_180 : vector<16xi1>, vector<16xf32>
      %lt3A_184 = arith.cmpf olt, %select_n3A_174, %gather3A_148 : vector<16xf32>
      %select_n3A_185 = arith.select %lt3A_184, %broadcast_in_dim3A_15, %broadcast_in_dim3A_17 : vector<16xi1>, vector<16xi32>
      %add3A_186 = arith.addi %sub3A_165, %select_n3A_185 : vector<16xi32>
      %lt3A_187 = arith.cmpf olt, %select_n3A_183, %gather3A_148 : vector<16xf32>
      %select_n3A_188 = arith.select %lt3A_187, %broadcast_in_dim3A_15, %broadcast_in_dim3A_17 : vector<16xi1>, vector<16xi32>
      %add3A_189 = arith.addi %add3A_186, %select_n3A_188 : vector<16xi32>
      %add3A_190 = vector.broadcast %add3A_62 : i32 to vector<16xi32>
      %add3A_191 = arith.addi %add3A_189, %add3A_190 : vector<16xi32>
      %swap3A_192 = arith.index_cast %add3A_64 : i32 to index
      %swap3A_193 = arith.constant 32 : index
      %swap3A_194 = tpu.vector_load %arg6[%swap3A_192, %swap3A_193] {strides = array<i32>} : memref<300x128xi32, #tpu.memory_space<vmem>>, vector<16xi32>,
      tpu.vector_store %arg6[%swap3A_192, %swap3A_193], %add3A_191 {strides = array<i32>} : memref<300x128xi32, #tpu.memory_space<vmem>>, vector<16xi32>,
      %gather3A_195 = tpu.vector_load_idx %arg5[%add3A_29, %add3A_58] : memref<128x128xf32, #tpu.memory_space<vmem>>[vector<16xi32>, vector<16xi32>], vector<16xf32>,
      %div3A_196 = arith.constant 1.000000e+00 : f32
      %div3A_197 = arith.constant 6.300000e+01 : f32
      %div3A_198 = arith.divf %div3A_196, %div3A_197 : f32
      %mul3A_199 = arith.constant 6.300000e+01 : f32
      %mul3A_200 = vector.broadcast %mul3A_199 : f32 to vector<16xf32>
      %mul3A_201 = arith.mulf %gather3A_195, %mul3A_200 : vector<16xf32>
      %convert_element_type3A_202 = arith.fptosi %mul3A_201 : vector<16xf32> to vector<16xi32>
      %convert_element_type3A_203 = arith.sitofp %convert_element_type3A_202 : vector<16xi32> to vector<16xf32>
      %gt3A_204 = arith.cmpf ogt, %mul3A_201, %convert_element_type3A_203 : vector<16xf32>
      %select_n3A_205 = arith.select %gt3A_204, %broadcast_in_dim3A_15, %broadcast_in_dim3A_17 : vector<16xi1>, vector<16xi32>
      %add3A_206 = arith.addi %convert_element_type3A_202, %select_n3A_205 : vector<16xi32>
      %min3A_207 = arith.constant 63 : i32
      %min3A_208 = vector.broadcast %min3A_207 : i32 to vector<16xi32>
      %min3A_209 = arith.minsi %add3A_206, %min3A_208 : vector<16xi32>
      %sub3A_210 = arith.constant 1 : i32
      %sub3A_211 = vector.broadcast %sub3A_210 : i32 to vector<16xi32>
      %sub3A_212 = arith.subi %min3A_209, %sub3A_211 : vector<16xi32>
      %lt3A_213 = arith.constant 0 : i32
      %lt3A_214 = vector.broadcast %lt3A_213 : i32 to vector<16xi32>
      %lt3A_215 = arith.cmpi slt, %sub3A_212, %lt3A_214 : vector<16xi32>
      %convert_element_type3A_216 = arith.sitofp %sub3A_212 : vector<16xi32> to vector<16xf32>
      %mul3A_217 = vector.broadcast %div3A_198 : f32 to vector<16xf32>
      %mul3A_218 = arith.mulf %convert_element_type3A_216, %mul3A_217 : vector<16xf32>
      %jit3A_219 = arith.constant -1.000000e+00 : f32
      %broadcast_in_dim3A_220 = vector.broadcast %jit3A_219 : f32 to vector<16xf32>
      %select_n3A_221 = arith.select %lt3A_215, %broadcast_in_dim3A_220, %mul3A_218 : vector<16xi1>, vector<16xf32>
      %eq3A_222 = arith.constant 63 : i32
      %eq3A_223 = vector.broadcast %eq3A_222 : i32 to vector<16xi32>
      %eq3A_224 = arith.cmpi eq, %min3A_209, %eq3A_223 : vector<16xi32>
      %convert_element_type3A_225 = arith.sitofp %min3A_209 : vector<16xi32> to vector<16xf32>
      %mul3A_226 = vector.broadcast %div3A_198 : f32 to vector<16xf32>
      %mul3A_227 = arith.mulf %convert_element_type3A_225, %mul3A_226 : vector<16xf32>
      %jit3A_228 = arith.constant 1.000000e+00 : f32
      %broadcast_in_dim3A_229 = vector.broadcast %jit3A_228 : f32 to vector<16xf32>
      %select_n3A_230 = arith.select %eq3A_224, %broadcast_in_dim3A_229, %mul3A_227 : vector<16xi1>, vector<16xf32>
      %lt3A_231 = arith.cmpf olt, %select_n3A_221, %gather3A_195 : vector<16xf32>
      %select_n3A_232 = arith.select %lt3A_231, %broadcast_in_dim3A_15, %broadcast_in_dim3A_17 : vector<16xi1>, vector<16xi32>
      %add3A_233 = arith.addi %sub3A_212, %select_n3A_232 : vector<16xi32>
      %lt3A_234 = arith.cmpf olt, %select_n3A_230, %gather3A_195 : vector<16xf32>
      %select_n3A_235 = arith.select %lt3A_234, %broadcast_in_dim3A_15, %broadcast_in_dim3A_17 : vector<16xi1>, vector<16xi32>
      %add3A_236 = arith.addi %add3A_233, %select_n3A_235 : vector<16xi32>
      %add3A_237 = vector.broadcast %add3A_62 : i32 to vector<16xi32>
      %add3A_238 = arith.addi %add3A_236, %add3A_237 : vector<16xi32>
      %swap3A_239 = arith.index_cast %add3A_64 : i32 to index
      %swap3A_240 = arith.constant 48 : index
      %swap3A_241 = tpu.vector_load %arg6[%swap3A_239, %swap3A_240] {strides = array<i32>} : memref<300x128xi32, #tpu.memory_space<vmem>>, vector<16xi32>,
      tpu.vector_store %arg6[%swap3A_239, %swap3A_240], %add3A_238 {strides = array<i32>} : memref<300x128xi32, #tpu.memory_space<vmem>>, vector<16xi32>,
      %gather3A_242 = tpu.vector_load_idx %arg5[%add3A_32, %add3A_58] : memref<128x128xf32, #tpu.memory_space<vmem>>[vector<16xi32>, vector<16xi32>], vector<16xf32>,
      %div3A_243 = arith.constant 1.000000e+00 : f32
      %div3A_244 = arith.constant 6.300000e+01 : f32
      %div3A_245 = arith.divf %div3A_243, %div3A_244 : f32
      %mul3A_246 = arith.constant 6.300000e+01 : f32
      %mul3A_247 = vector.broadcast %mul3A_246 : f32 to vector<16xf32>
      %mul3A_248 = arith.mulf %gather3A_242, %mul3A_247 : vector<16xf32>
      %convert_element_type3A_249 = arith.fptosi %mul3A_248 : vector<16xf32> to vector<16xi32>
      %convert_element_type3A_250 = arith.sitofp %convert_element_type3A_249 : vector<16xi32> to vector<16xf32>
      %gt3A_251 = arith.cmpf ogt, %mul3A_248, %convert_element_type3A_250 : vector<16xf32>
      %select_n3A_252 = arith.select %gt3A_251, %broadcast_in_dim3A_15, %broadcast_in_dim3A_17 : vector<16xi1>, vector<16xi32>
      %add3A_253 = arith.addi %convert_element_type3A_249, %select_n3A_252 : vector<16xi32>
      %min3A_254 = arith.constant 63 : i32
      %min3A_255 = vector.broadcast %min3A_254 : i32 to vector<16xi32>
      %min3A_256 = arith.minsi %add3A_253, %min3A_255 : vector<16xi32>
      %sub3A_257 = arith.constant 1 : i32
      %sub3A_258 = vector.broadcast %sub3A_257 : i32 to vector<16xi32>
      %sub3A_259 = arith.subi %min3A_256, %sub3A_258 : vector<16xi32>
      %lt3A_260 = arith.constant 0 : i32
      %lt3A_261 = vector.broadcast %lt3A_260 : i32 to vector<16xi32>
      %lt3A_262 = arith.cmpi slt, %sub3A_259, %lt3A_261 : vector<16xi32>
      %convert_element_type3A_263 = arith.sitofp %sub3A_259 : vector<16xi32> to vector<16xf32>
      %mul3A_264 = vector.broadcast %div3A_245 : f32 to vector<16xf32>
      %mul3A_265 = arith.mulf %convert_element_type3A_263, %mul3A_264 : vector<16xf32>
      %jit3A_266 = arith.constant -1.000000e+00 : f32
      %broadcast_in_dim3A_267 = vector.broadcast %jit3A_266 : f32 to vector<16xf32>
      %select_n3A_268 = arith.select %lt3A_262, %broadcast_in_dim3A_267, %mul3A_265 : vector<16xi1>, vector<16xf32>
      %eq3A_269 = arith.constant 63 : i32
      %eq3A_270 = vector.broadcast %eq3A_269 : i32 to vector<16xi32>
      %eq3A_271 = arith.cmpi eq, %min3A_256, %eq3A_270 : vector<16xi32>
      %convert_element_type3A_272 = arith.sitofp %min3A_256 : vector<16xi32> to vector<16xf32>
      %mul3A_273 = vector.broadcast %div3A_245 : f32 to vector<16xf32>
      %mul3A_274 = arith.mulf %convert_element_type3A_272, %mul3A_273 : vector<16xf32>
      %jit3A_275 = arith.constant 1.000000e+00 : f32
      %broadcast_in_dim3A_276 = vector.broadcast %jit3A_275 : f32 to vector<16xf32>
      %select_n3A_277 = arith.select %eq3A_271, %broadcast_in_dim3A_276, %mul3A_274 : vector<16xi1>, vector<16xf32>
      %lt3A_278 = arith.cmpf olt, %select_n3A_268, %gather3A_242 : vector<16xf32>
      %select_n3A_279 = arith.select %lt3A_278, %broadcast_in_dim3A_15, %broadcast_in_dim3A_17 : vector<16xi1>, vector<16xi32>
      %add3A_280 = arith.addi %sub3A_259, %select_n3A_279 : vector<16xi32>
      %lt3A_281 = arith.cmpf olt, %select_n3A_277, %gather3A_242 : vector<16xf32>
      %select_n3A_282 = arith.select %lt3A_281, %broadcast_in_dim3A_15, %broadcast_in_dim3A_17 : vector<16xi1>, vector<16xi32>
      %add3A_283 = arith.addi %add3A_280, %select_n3A_282 : vector<16xi32>
      %add3A_284 = vector.broadcast %add3A_62 : i32 to vector<16xi32>
      %add3A_285 = arith.addi %add3A_283, %add3A_284 : vector<16xi32>
      %swap3A_286 = arith.index_cast %add3A_64 : i32 to index
      %swap3A_287 = arith.constant 64 : index
      %swap3A_288 = tpu.vector_load %arg6[%swap3A_286, %swap3A_287] {strides = array<i32>} : memref<300x128xi32, #tpu.memory_space<vmem>>, vector<16xi32>,
      tpu.vector_store %arg6[%swap3A_286, %swap3A_287], %add3A_285 {strides = array<i32>} : memref<300x128xi32, #tpu.memory_space<vmem>>, vector<16xi32>,
      %gather3A_289 = tpu.vector_load_idx %arg5[%add3A_35, %add3A_58] : memref<128x128xf32, #tpu.memory_space<vmem>>[vector<16xi32>, vector<16xi32>], vector<16xf32>,
      %div3A_290 = arith.constant 1.000000e+00 : f32
      %div3A_291 = arith.constant 6.300000e+01 : f32
      %div3A_292 = arith.divf %div3A_290, %div3A_291 : f32
      %mul3A_293 = arith.constant 6.300000e+01 : f32
      %mul3A_294 = vector.broadcast %mul3A_293 : f32 to vector<16xf32>
      %mul3A_295 = arith.mulf %gather3A_289, %mul3A_294 : vector<16xf32>
      %convert_element_type3A_296 = arith.fptosi %mul3A_295 : vector<16xf32> to vector<16xi32>
      %convert_element_type3A_297 = arith.sitofp %convert_element_type3A_296 : vector<16xi32> to vector<16xf32>
      %gt3A_298 = arith.cmpf ogt, %mul3A_295, %convert_element_type3A_297 : vector<16xf32>
      %select_n3A_299 = arith.select %gt3A_298, %broadcast_in_dim3A_15, %broadcast_in_dim3A_17 : vector<16xi1>, vector<16xi32>
      %add3A_300 = arith.addi %convert_element_type3A_296, %select_n3A_299 : vector<16xi32>
      %min3A_301 = arith.constant 63 : i32
      %min3A_302 = vector.broadcast %min3A_301 : i32 to vector<16xi32>
      %min3A_303 = arith.minsi %add3A_300, %min3A_302 : vector<16xi32>
      %sub3A_304 = arith.constant 1 : i32
      %sub3A_305 = vector.broadcast %sub3A_304 : i32 to vector<16xi32>
      %sub3A_306 = arith.subi %min3A_303, %sub3A_305 : vector<16xi32>
      %lt3A_307 = arith.constant 0 : i32
      %lt3A_308 = vector.broadcast %lt3A_307 : i32 to vector<16xi32>
      %lt3A_309 = arith.cmpi slt, %sub3A_306, %lt3A_308 : vector<16xi32>
      %convert_element_type3A_310 = arith.sitofp %sub3A_306 : vector<16xi32> to vector<16xf32>
      %mul3A_311 = vector.broadcast %div3A_292 : f32 to vector<16xf32>
      %mul3A_312 = arith.mulf %convert_element_type3A_310, %mul3A_311 : vector<16xf32>
      %jit3A_313 = arith.constant -1.000000e+00 : f32
      %broadcast_in_dim3A_314 = vector.broadcast %jit3A_313 : f32 to vector<16xf32>
      %select_n3A_315 = arith.select %lt3A_309, %broadcast_in_dim3A_314, %mul3A_312 : vector<16xi1>, vector<16xf32>
      %eq3A_316 = arith.constant 63 : i32
      %eq3A_317 = vector.broadcast %eq3A_316 : i32 to vector<16xi32>
      %eq3A_318 = arith.cmpi eq, %min3A_303, %eq3A_317 : vector<16xi32>
      %convert_element_type3A_319 = arith.sitofp %min3A_303 : vector<16xi32> to vector<16xf32>
      %mul3A_320 = vector.broadcast %div3A_292 : f32 to vector<16xf32>
      %mul3A_321 = arith.mulf %convert_element_type3A_319, %mul3A_320 : vector<16xf32>
      %jit3A_322 = arith.constant 1.000000e+00 : f32
      %broadcast_in_dim3A_323 = vector.broadcast %jit3A_322 : f32 to vector<16xf32>
      %select_n3A_324 = arith.select %eq3A_318, %broadcast_in_dim3A_323, %mul3A_321 : vector<16xi1>, vector<16xf32>
      %lt3A_325 = arith.cmpf olt, %select_n3A_315, %gather3A_289 : vector<16xf32>
      %select_n3A_326 = arith.select %lt3A_325, %broadcast_in_dim3A_15, %broadcast_in_dim3A_17 : vector<16xi1>, vector<16xi32>
      %add3A_327 = arith.addi %sub3A_306, %select_n3A_326 : vector<16xi32>
      %lt3A_328 = arith.cmpf olt, %select_n3A_324, %gather3A_289 : vector<16xf32>
      %select_n3A_329 = arith.select %lt3A_328, %broadcast_in_dim3A_15, %broadcast_in_dim3A_17 : vector<16xi1>, vector<16xi32>
      %add3A_330 = arith.addi %add3A_327, %select_n3A_329 : vector<16xi32>
      %add3A_331 = vector.broadcast %add3A_62 : i32 to vector<16xi32>
      %add3A_332 = arith.addi %add3A_330, %add3A_331 : vector<16xi32>
      %swap3A_333 = arith.index_cast %add3A_64 : i32 to index
      %swap3A_334 = arith.constant 80 : index
      %swap3A_335 = tpu.vector_load %arg6[%swap3A_333, %swap3A_334] {strides = array<i32>} : memref<300x128xi32, #tpu.memory_space<vmem>>, vector<16xi32>,
      tpu.vector_store %arg6[%swap3A_333, %swap3A_334], %add3A_332 {strides = array<i32>} : memref<300x128xi32, #tpu.memory_space<vmem>>, vector<16xi32>,
      %gather3A_336 = tpu.vector_load_idx %arg5[%add3A_38, %add3A_58] : memref<128x128xf32, #tpu.memory_space<vmem>>[vector<16xi32>, vector<16xi32>], vector<16xf32>,
      %div3A_337 = arith.constant 1.000000e+00 : f32
      %div3A_338 = arith.constant 6.300000e+01 : f32
      %div3A_339 = arith.divf %div3A_337, %div3A_338 : f32
      %mul3A_340 = arith.constant 6.300000e+01 : f32
      %mul3A_341 = vector.broadcast %mul3A_340 : f32 to vector<16xf32>
      %mul3A_342 = arith.mulf %gather3A_336, %mul3A_341 : vector<16xf32>
      %convert_element_type3A_343 = arith.fptosi %mul3A_342 : vector<16xf32> to vector<16xi32>
      %convert_element_type3A_344 = arith.sitofp %convert_element_type3A_343 : vector<16xi32> to vector<16xf32>
      %gt3A_345 = arith.cmpf ogt, %mul3A_342, %convert_element_type3A_344 : vector<16xf32>
      %select_n3A_346 = arith.select %gt3A_345, %broadcast_in_dim3A_15, %broadcast_in_dim3A_17 : vector<16xi1>, vector<16xi32>
      %add3A_347 = arith.addi %convert_element_type3A_343, %select_n3A_346 : vector<16xi32>
      %min3A_348 = arith.constant 63 : i32
      %min3A_349 = vector.broadcast %min3A_348 : i32 to vector<16xi32>
      %min3A_350 = arith.minsi %add3A_347, %min3A_349 : vector<16xi32>
      %sub3A_351 = arith.constant 1 : i32
      %sub3A_352 = vector.broadcast %sub3A_351 : i32 to vector<16xi32>
      %sub3A_353 = arith.subi %min3A_350, %sub3A_352 : vector<16xi32>
      %lt3A_354 = arith.constant 0 : i32
      %lt3A_355 = vector.broadcast %lt3A_354 : i32 to vector<16xi32>
      %lt3A_356 = arith.cmpi slt, %sub3A_353, %lt3A_355 : vector<16xi32>
      %convert_element_type3A_357 = arith.sitofp %sub3A_353 : vector<16xi32> to vector<16xf32>
      %mul3A_358 = vector.broadcast %div3A_339 : f32 to vector<16xf32>
      %mul3A_359 = arith.mulf %convert_element_type3A_357, %mul3A_358 : vector<16xf32>
      %jit3A_360 = arith.constant -1.000000e+00 : f32
      %broadcast_in_dim3A_361 = vector.broadcast %jit3A_360 : f32 to vector<16xf32>
      %select_n3A_362 = arith.select %lt3A_356, %broadcast_in_dim3A_361, %mul3A_359 : vector<16xi1>, vector<16xf32>
      %eq3A_363 = arith.constant 63 : i32
      %eq3A_364 = vector.broadcast %eq3A_363 : i32 to vector<16xi32>
      %eq3A_365 = arith.cmpi eq, %min3A_350, %eq3A_364 : vector<16xi32>
      %convert_element_type3A_366 = arith.sitofp %min3A_350 : vector<16xi32> to vector<16xf32>
      %mul3A_367 = vector.broadcast %div3A_339 : f32 to vector<16xf32>
      %mul3A_368 = arith.mulf %convert_element_type3A_366, %mul3A_367 : vector<16xf32>
      %jit3A_369 = arith.constant 1.000000e+00 : f32
      %broadcast_in_dim3A_370 = vector.broadcast %jit3A_369 : f32 to vector<16xf32>
      %select_n3A_371 = arith.select %eq3A_365, %broadcast_in_dim3A_370, %mul3A_368 : vector<16xi1>, vector<16xf32>
      %lt3A_372 = arith.cmpf olt, %select_n3A_362, %gather3A_336 : vector<16xf32>
      %select_n3A_373 = arith.select %lt3A_372, %broadcast_in_dim3A_15, %broadcast_in_dim3A_17 : vector<16xi1>, vector<16xi32>
      %add3A_374 = arith.addi %sub3A_353, %select_n3A_373 : vector<16xi32>
      %lt3A_375 = arith.cmpf olt, %select_n3A_371, %gather3A_336 : vector<16xf32>
      %select_n3A_376 = arith.select %lt3A_375, %broadcast_in_dim3A_15, %broadcast_in_dim3A_17 : vector<16xi1>, vector<16xi32>
      %add3A_377 = arith.addi %add3A_374, %select_n3A_376 : vector<16xi32>
      %add3A_378 = vector.broadcast %add3A_62 : i32 to vector<16xi32>
      %add3A_379 = arith.addi %add3A_377, %add3A_378 : vector<16xi32>
      %swap3A_380 = arith.index_cast %add3A_64 : i32 to index
      %swap3A_381 = arith.constant 96 : index
      %swap3A_382 = tpu.vector_load %arg6[%swap3A_380, %swap3A_381] {strides = array<i32>} : memref<300x128xi32, #tpu.memory_space<vmem>>, vector<16xi32>,
      tpu.vector_store %arg6[%swap3A_380, %swap3A_381], %add3A_379 {strides = array<i32>} : memref<300x128xi32, #tpu.memory_space<vmem>>, vector<16xi32>,
      %gather3A_383 = tpu.vector_load_idx %arg5[%add3A_41, %add3A_58] : memref<128x128xf32, #tpu.memory_space<vmem>>[vector<16xi32>, vector<16xi32>], vector<16xf32>,
      %div3A_384 = arith.constant 1.000000e+00 : f32
      %div3A_385 = arith.constant 6.300000e+01 : f32
      %div3A_386 = arith.divf %div3A_384, %div3A_385 : f32
      %mul3A_387 = arith.constant 6.300000e+01 : f32
      %mul3A_388 = vector.broadcast %mul3A_387 : f32 to vector<16xf32>
      %mul3A_389 = arith.mulf %gather3A_383, %mul3A_388 : vector<16xf32>
      %convert_element_type3A_390 = arith.fptosi %mul3A_389 : vector<16xf32> to vector<16xi32>
      %convert_element_type3A_391 = arith.sitofp %convert_element_type3A_390 : vector<16xi32> to vector<16xf32>
      %gt3A_392 = arith.cmpf ogt, %mul3A_389, %convert_element_type3A_391 : vector<16xf32>
      %select_n3A_393 = arith.select %gt3A_392, %broadcast_in_dim3A_15, %broadcast_in_dim3A_17 : vector<16xi1>, vector<16xi32>
      %add3A_394 = arith.addi %convert_element_type3A_390, %select_n3A_393 : vector<16xi32>
      %min3A_395 = arith.constant 63 : i32
      %min3A_396 = vector.broadcast %min3A_395 : i32 to vector<16xi32>
      %min3A_397 = arith.minsi %add3A_394, %min3A_396 : vector<16xi32>
      %sub3A_398 = arith.constant 1 : i32
      %sub3A_399 = vector.broadcast %sub3A_398 : i32 to vector<16xi32>
      %sub3A_400 = arith.subi %min3A_397, %sub3A_399 : vector<16xi32>
      %lt3A_401 = arith.constant 0 : i32
      %lt3A_402 = vector.broadcast %lt3A_401 : i32 to vector<16xi32>
      %lt3A_403 = arith.cmpi slt, %sub3A_400, %lt3A_402 : vector<16xi32>
      %convert_element_type3A_404 = arith.sitofp %sub3A_400 : vector<16xi32> to vector<16xf32>
      %mul3A_405 = vector.broadcast %div3A_386 : f32 to vector<16xf32>
      %mul3A_406 = arith.mulf %convert_element_type3A_404, %mul3A_405 : vector<16xf32>
      %jit3A_407 = arith.constant -1.000000e+00 : f32
      %broadcast_in_dim3A_408 = vector.broadcast %jit3A_407 : f32 to vector<16xf32>
      %select_n3A_409 = arith.select %lt3A_403, %broadcast_in_dim3A_408, %mul3A_406 : vector<16xi1>, vector<16xf32>
      %eq3A_410 = arith.constant 63 : i32
      %eq3A_411 = vector.broadcast %eq3A_410 : i32 to vector<16xi32>
      %eq3A_412 = arith.cmpi eq, %min3A_397, %eq3A_411 : vector<16xi32>
      %convert_element_type3A_413 = arith.sitofp %min3A_397 : vector<16xi32> to vector<16xf32>
      %mul3A_414 = vector.broadcast %div3A_386 : f32 to vector<16xf32>
      %mul3A_415 = arith.mulf %convert_element_type3A_413, %mul3A_414 : vector<16xf32>
      %jit3A_416 = arith.constant 1.000000e+00 : f32
      %broadcast_in_dim3A_417 = vector.broadcast %jit3A_416 : f32 to vector<16xf32>
      %select_n3A_418 = arith.select %eq3A_412, %broadcast_in_dim3A_417, %mul3A_415 : vector<16xi1>, vector<16xf32>
      %lt3A_419 = arith.cmpf olt, %select_n3A_409, %gather3A_383 : vector<16xf32>
      %select_n3A_420 = arith.select %lt3A_419, %broadcast_in_dim3A_15, %broadcast_in_dim3A_17 : vector<16xi1>, vector<16xi32>
      %add3A_421 = arith.addi %sub3A_400, %select_n3A_420 : vector<16xi32>
      %lt3A_422 = arith.cmpf olt, %select_n3A_418, %gather3A_383 : vector<16xf32>
      %select_n3A_423 = arith.select %lt3A_422, %broadcast_in_dim3A_15, %broadcast_in_dim3A_17 : vector<16xi1>, vector<16xi32>
      %add3A_424 = arith.addi %add3A_421, %select_n3A_423 : vector<16xi32>
      %add3A_425 = vector.broadcast %add3A_62 : i32 to vector<16xi32>
      %add3A_426 = arith.addi %add3A_424, %add3A_425 : vector<16xi32>
      %swap3A_427 = arith.index_cast %add3A_64 : i32 to index
      %swap3A_428 = arith.constant 112 : index
      %swap3A_429 = tpu.vector_load %arg6[%swap3A_427, %swap3A_428] {strides = array<i32>} : memref<300x128xi32, #tpu.memory_space<vmem>>, vector<16xi32>,
      tpu.vector_store %arg6[%swap3A_427, %swap3A_428], %add3A_426 {strides = array<i32>} : memref<300x128xi32, #tpu.memory_space<vmem>>, vector<16xi32>,
      %mul3A_430 = arith.constant 257 : i32
      %mul3A_431 = arith.muli %add3A_56, %mul3A_430 : i32
      %add3A_432 = arith.constant 8200 : i32
      %add3A_433 = arith.addi %mul3A_431, %add3A_432 : i32
      %add3A_434 = arith.constant 100 : i32
      %add3A_435 = arith.addi %add3A_434, %add3A_56 : i32
      %gather3A_436 = tpu.vector_load_idx %arg5[%add3A_20, %add3A_58] : memref<128x128xf32, #tpu.memory_space<vmem>>[vector<16xi32>, vector<16xi32>], vector<16xf32>,
      %div3A_437 = arith.constant 1.000000e+00 : f32
      %div3A_438 = arith.constant 2.550000e+02 : f32
      %div3A_439 = arith.divf %div3A_437, %div3A_438 : f32
      %mul3A_440 = arith.constant 2.550000e+02 : f32
      %mul3A_441 = vector.broadcast %mul3A_440 : f32 to vector<16xf32>
      %mul3A_442 = arith.mulf %gather3A_436, %mul3A_441 : vector<16xf32>
      %convert_element_type3A_443 = arith.fptosi %mul3A_442 : vector<16xf32> to vector<16xi32>
      %convert_element_type3A_444 = arith.sitofp %convert_element_type3A_443 : vector<16xi32> to vector<16xf32>
      %gt3A_445 = arith.cmpf ogt, %mul3A_442, %convert_element_type3A_444 : vector<16xf32>
      %select_n3A_446 = arith.select %gt3A_445, %broadcast_in_dim3A_15, %broadcast_in_dim3A_17 : vector<16xi1>, vector<16xi32>
      %add3A_447 = arith.addi %convert_element_type3A_443, %select_n3A_446 : vector<16xi32>
      %min3A_448 = arith.constant 255 : i32
      %min3A_449 = vector.broadcast %min3A_448 : i32 to vector<16xi32>
      %min3A_450 = arith.minsi %add3A_447, %min3A_449 : vector<16xi32>
      %sub3A_451 = arith.constant 1 : i32
      %sub3A_452 = vector.broadcast %sub3A_451 : i32 to vector<16xi32>
      %sub3A_453 = arith.subi %min3A_450, %sub3A_452 : vector<16xi32>
      %lt3A_454 = arith.constant 0 : i32
      %lt3A_455 = vector.broadcast %lt3A_454 : i32 to vector<16xi32>
      %lt3A_456 = arith.cmpi slt, %sub3A_453, %lt3A_455 : vector<16xi32>
      %convert_element_type3A_457 = arith.sitofp %sub3A_453 : vector<16xi32> to vector<16xf32>
      %mul3A_458 = vector.broadcast %div3A_439 : f32 to vector<16xf32>
      %mul3A_459 = arith.mulf %convert_element_type3A_457, %mul3A_458 : vector<16xf32>
      %jit3A_460 = arith.constant -1.000000e+00 : f32
      %broadcast_in_dim3A_461 = vector.broadcast %jit3A_460 : f32 to vector<16xf32>
      %select_n3A_462 = arith.select %lt3A_456, %broadcast_in_dim3A_461, %mul3A_459 : vector<16xi1>, vector<16xf32>
      %eq3A_463 = arith.constant 255 : i32
      %eq3A_464 = vector.broadcast %eq3A_463 : i32 to vector<16xi32>
      %eq3A_465 = arith.cmpi eq, %min3A_450, %eq3A_464 : vector<16xi32>
      %convert_element_type3A_466 = arith.sitofp %min3A_450 : vector<16xi32> to vector<16xf32>
      %mul3A_467 = vector.broadcast %div3A_439 : f32 to vector<16xf32>
      %mul3A_468 = arith.mulf %convert_element_type3A_466, %mul3A_467 : vector<16xf32>
      %jit3A_469 = arith.constant 1.000000e+00 : f32
      %broadcast_in_dim3A_470 = vector.broadcast %jit3A_469 : f32 to vector<16xf32>
      %select_n3A_471 = arith.select %eq3A_465, %broadcast_in_dim3A_470, %mul3A_468 : vector<16xi1>, vector<16xf32>
      %lt3A_472 = arith.cmpf olt, %select_n3A_462, %gather3A_436 : vector<16xf32>
      %select_n3A_473 = arith.select %lt3A_472, %broadcast_in_dim3A_15, %broadcast_in_dim3A_17 : vector<16xi1>, vector<16xi32>
      %add3A_474 = arith.addi %sub3A_453, %select_n3A_473 : vector<16xi32>
      %lt3A_475 = arith.cmpf olt, %select_n3A_471, %gather3A_436 : vector<16xf32>
      %select_n3A_476 = arith.select %lt3A_475, %broadcast_in_dim3A_15, %broadcast_in_dim3A_17 : vector<16xi1>, vector<16xi32>
      %add3A_477 = arith.addi %add3A_474, %select_n3A_476 : vector<16xi32>
      %add3A_478 = vector.broadcast %add3A_433 : i32 to vector<16xi32>
      %add3A_479 = arith.addi %add3A_477, %add3A_478 : vector<16xi32>
      %swap3A_480 = arith.index_cast %add3A_435 : i32 to index
      %swap3A_481 = arith.constant 0 : index
      %swap3A_482 = tpu.vector_load %arg6[%swap3A_480, %swap3A_481] {strides = array<i32>} : memref<300x128xi32, #tpu.memory_space<vmem>>, vector<16xi32>,
      tpu.vector_store %arg6[%swap3A_480, %swap3A_481], %add3A_479 {strides = array<i32>} : memref<300x128xi32, #tpu.memory_space<vmem>>, vector<16xi32>,
      %gather3A_483 = tpu.vector_load_idx %arg5[%add3A_23, %add3A_58] : memref<128x128xf32, #tpu.memory_space<vmem>>[vector<16xi32>, vector<16xi32>], vector<16xf32>,
      %div3A_484 = arith.constant 1.000000e+00 : f32
      %div3A_485 = arith.constant 2.550000e+02 : f32
      %div3A_486 = arith.divf %div3A_484, %div3A_485 : f32
      %mul3A_487 = arith.constant 2.550000e+02 : f32
      %mul3A_488 = vector.broadcast %mul3A_487 : f32 to vector<16xf32>
      %mul3A_489 = arith.mulf %gather3A_483, %mul3A_488 : vector<16xf32>
      %convert_element_type3A_490 = arith.fptosi %mul3A_489 : vector<16xf32> to vector<16xi32>
      %convert_element_type3A_491 = arith.sitofp %convert_element_type3A_490 : vector<16xi32> to vector<16xf32>
      %gt3A_492 = arith.cmpf ogt, %mul3A_489, %convert_element_type3A_491 : vector<16xf32>
      %select_n3A_493 = arith.select %gt3A_492, %broadcast_in_dim3A_15, %broadcast_in_dim3A_17 : vector<16xi1>, vector<16xi32>
      %add3A_494 = arith.addi %convert_element_type3A_490, %select_n3A_493 : vector<16xi32>
      %min3A_495 = arith.constant 255 : i32
      %min3A_496 = vector.broadcast %min3A_495 : i32 to vector<16xi32>
      %min3A_497 = arith.minsi %add3A_494, %min3A_496 : vector<16xi32>
      %sub3A_498 = arith.constant 1 : i32
      %sub3A_499 = vector.broadcast %sub3A_498 : i32 to vector<16xi32>
      %sub3A_500 = arith.subi %min3A_497, %sub3A_499 : vector<16xi32>
      %lt3A_501 = arith.constant 0 : i32
      %lt3A_502 = vector.broadcast %lt3A_501 : i32 to vector<16xi32>
      %lt3A_503 = arith.cmpi slt, %sub3A_500, %lt3A_502 : vector<16xi32>
      %convert_element_type3A_504 = arith.sitofp %sub3A_500 : vector<16xi32> to vector<16xf32>
      %mul3A_505 = vector.broadcast %div3A_486 : f32 to vector<16xf32>
      %mul3A_506 = arith.mulf %convert_element_type3A_504, %mul3A_505 : vector<16xf32>
      %jit3A_507 = arith.constant -1.000000e+00 : f32
      %broadcast_in_dim3A_508 = vector.broadcast %jit3A_507 : f32 to vector<16xf32>
      %select_n3A_509 = arith.select %lt3A_503, %broadcast_in_dim3A_508, %mul3A_506 : vector<16xi1>, vector<16xf32>
      %eq3A_510 = arith.constant 255 : i32
      %eq3A_511 = vector.broadcast %eq3A_510 : i32 to vector<16xi32>
      %eq3A_512 = arith.cmpi eq, %min3A_497, %eq3A_511 : vector<16xi32>
      %convert_element_type3A_513 = arith.sitofp %min3A_497 : vector<16xi32> to vector<16xf32>
      %mul3A_514 = vector.broadcast %div3A_486 : f32 to vector<16xf32>
      %mul3A_515 = arith.mulf %convert_element_type3A_513, %mul3A_514 : vector<16xf32>
      %jit3A_516 = arith.constant 1.000000e+00 : f32
      %broadcast_in_dim3A_517 = vector.broadcast %jit3A_516 : f32 to vector<16xf32>
      %select_n3A_518 = arith.select %eq3A_512, %broadcast_in_dim3A_517, %mul3A_515 : vector<16xi1>, vector<16xf32>
      %lt3A_519 = arith.cmpf olt, %select_n3A_509, %gather3A_483 : vector<16xf32>
      %select_n3A_520 = arith.select %lt3A_519, %broadcast_in_dim3A_15, %broadcast_in_dim3A_17 : vector<16xi1>, vector<16xi32>
      %add3A_521 = arith.addi %sub3A_500, %select_n3A_520 : vector<16xi32>
      %lt3A_522 = arith.cmpf olt, %select_n3A_518, %gather3A_483 : vector<16xf32>
      %select_n3A_523 = arith.select %lt3A_522, %broadcast_in_dim3A_15, %broadcast_in_dim3A_17 : vector<16xi1>, vector<16xi32>
      %add3A_524 = arith.addi %add3A_521, %select_n3A_523 : vector<16xi32>
      %add3A_525 = vector.broadcast %add3A_433 : i32 to vector<16xi32>
      %add3A_526 = arith.addi %add3A_524, %add3A_525 : vector<16xi32>
      %swap3A_527 = arith.index_cast %add3A_435 : i32 to index
      %swap3A_528 = arith.constant 16 : index
      %swap3A_529 = tpu.vector_load %arg6[%swap3A_527, %swap3A_528] {strides = array<i32>} : memref<300x128xi32, #tpu.memory_space<vmem>>, vector<16xi32>,
      tpu.vector_store %arg6[%swap3A_527, %swap3A_528], %add3A_526 {strides = array<i32>} : memref<300x128xi32, #tpu.memory_space<vmem>>, vector<16xi32>,
      %gather3A_530 = tpu.vector_load_idx %arg5[%add3A_26, %add3A_58] : memref<128x128xf32, #tpu.memory_space<vmem>>[vector<16xi32>, vector<16xi32>], vector<16xf32>,
      %div3A_531 = arith.constant 1.000000e+00 : f32
      %div3A_532 = arith.constant 2.550000e+02 : f32
      %div3A_533 = arith.divf %div3A_531, %div3A_532 : f32
      %mul3A_534 = arith.constant 2.550000e+02 : f32
      %mul3A_535 = vector.broadcast %mul3A_534 : f32 to vector<16xf32>
      %mul3A_536 = arith.mulf %gather3A_530, %mul3A_535 : vector<16xf32>
      %convert_element_type3A_537 = arith.fptosi %mul3A_536 : vector<16xf32> to vector<16xi32>
      %convert_element_type3A_538 = arith.sitofp %convert_element_type3A_537 : vector<16xi32> to vector<16xf32>
      %gt3A_539 = arith.cmpf ogt, %mul3A_536, %convert_element_type3A_538 : vector<16xf32>
      %select_n3A_540 = arith.select %gt3A_539, %broadcast_in_dim3A_15, %broadcast_in_dim3A_17 : vector<16xi1>, vector<16xi32>
      %add3A_541 = arith.addi %convert_element_type3A_537, %select_n3A_540 : vector<16xi32>
      %min3A_542 = arith.constant 255 : i32
      %min3A_543 = vector.broadcast %min3A_542 : i32 to vector<16xi32>
      %min3A_544 = arith.minsi %add3A_541, %min3A_543 : vector<16xi32>
      %sub3A_545 = arith.constant 1 : i32
      %sub3A_546 = vector.broadcast %sub3A_545 : i32 to vector<16xi32>
      %sub3A_547 = arith.subi %min3A_544, %sub3A_546 : vector<16xi32>
      %lt3A_548 = arith.constant 0 : i32
      %lt3A_549 = vector.broadcast %lt3A_548 : i32 to vector<16xi32>
      %lt3A_550 = arith.cmpi slt, %sub3A_547, %lt3A_549 : vector<16xi32>
      %convert_element_type3A_551 = arith.sitofp %sub3A_547 : vector<16xi32> to vector<16xf32>
      %mul3A_552 = vector.broadcast %div3A_533 : f32 to vector<16xf32>
      %mul3A_553 = arith.mulf %convert_element_type3A_551, %mul3A_552 : vector<16xf32>
      %jit3A_554 = arith.constant -1.000000e+00 : f32
      %broadcast_in_dim3A_555 = vector.broadcast %jit3A_554 : f32 to vector<16xf32>
      %select_n3A_556 = arith.select %lt3A_550, %broadcast_in_dim3A_555, %mul3A_553 : vector<16xi1>, vector<16xf32>
      %eq3A_557 = arith.constant 255 : i32
      %eq3A_558 = vector.broadcast %eq3A_557 : i32 to vector<16xi32>
      %eq3A_559 = arith.cmpi eq, %min3A_544, %eq3A_558 : vector<16xi32>
      %convert_element_type3A_560 = arith.sitofp %min3A_544 : vector<16xi32> to vector<16xf32>
      %mul3A_561 = vector.broadcast %div3A_533 : f32 to vector<16xf32>
      %mul3A_562 = arith.mulf %convert_element_type3A_560, %mul3A_561 : vector<16xf32>
      %jit3A_563 = arith.constant 1.000000e+00 : f32
      %broadcast_in_dim3A_564 = vector.broadcast %jit3A_563 : f32 to vector<16xf32>
      %select_n3A_565 = arith.select %eq3A_559, %broadcast_in_dim3A_564, %mul3A_562 : vector<16xi1>, vector<16xf32>
      %lt3A_566 = arith.cmpf olt, %select_n3A_556, %gather3A_530 : vector<16xf32>
      %select_n3A_567 = arith.select %lt3A_566, %broadcast_in_dim3A_15, %broadcast_in_dim3A_17 : vector<16xi1>, vector<16xi32>
      %add3A_568 = arith.addi %sub3A_547, %select_n3A_567 : vector<16xi32>
      %lt3A_569 = arith.cmpf olt, %select_n3A_565, %gather3A_530 : vector<16xf32>
      %select_n3A_570 = arith.select %lt3A_569, %broadcast_in_dim3A_15, %broadcast_in_dim3A_17 : vector<16xi1>, vector<16xi32>
      %add3A_571 = arith.addi %add3A_568, %select_n3A_570 : vector<16xi32>
      %add3A_572 = vector.broadcast %add3A_433 : i32 to vector<16xi32>
      %add3A_573 = arith.addi %add3A_571, %add3A_572 : vector<16xi32>
      %swap3A_574 = arith.index_cast %add3A_435 : i32 to index
      %swap3A_575 = arith.constant 32 : index
      %swap3A_576 = tpu.vector_load %arg6[%swap3A_574, %swap3A_575] {strides = array<i32>} : memref<300x128xi32, #tpu.memory_space<vmem>>, vector<16xi32>,
      tpu.vector_store %arg6[%swap3A_574, %swap3A_575], %add3A_573 {strides = array<i32>} : memref<300x128xi32, #tpu.memory_space<vmem>>, vector<16xi32>,
      %gather3A_577 = tpu.vector_load_idx %arg5[%add3A_29, %add3A_58] : memref<128x128xf32, #tpu.memory_space<vmem>>[vector<16xi32>, vector<16xi32>], vector<16xf32>,
      %div3A_578 = arith.constant 1.000000e+00 : f32
      %div3A_579 = arith.constant 2.550000e+02 : f32
      %div3A_580 = arith.divf %div3A_578, %div3A_579 : f32
      %mul3A_581 = arith.constant 2.550000e+02 : f32
      %mul3A_582 = vector.broadcast %mul3A_581 : f32 to vector<16xf32>
      %mul3A_583 = arith.mulf %gather3A_577, %mul3A_582 : vector<16xf32>
      %convert_element_type3A_584 = arith.fptosi %mul3A_583 : vector<16xf32> to vector<16xi32>
      %convert_element_type3A_585 = arith.sitofp %convert_element_type3A_584 : vector<16xi32> to vector<16xf32>
      %gt3A_586 = arith.cmpf ogt, %mul3A_583, %convert_element_type3A_585 : vector<16xf32>
      %select_n3A_587 = arith.select %gt3A_586, %broadcast_in_dim3A_15, %broadcast_in_dim3A_17 : vector<16xi1>, vector<16xi32>
      %add3A_588 = arith.addi %convert_element_type3A_584, %select_n3A_587 : vector<16xi32>
      %min3A_589 = arith.constant 255 : i32
      %min3A_590 = vector.broadcast %min3A_589 : i32 to vector<16xi32>
      %min3A_591 = arith.minsi %add3A_588, %min3A_590 : vector<16xi32>
      %sub3A_592 = arith.constant 1 : i32
      %sub3A_593 = vector.broadcast %sub3A_592 : i32 to vector<16xi32>
      %sub3A_594 = arith.subi %min3A_591, %sub3A_593 : vector<16xi32>
      %lt3A_595 = arith.constant 0 : i32
      %lt3A_596 = vector.broadcast %lt3A_595 : i32 to vector<16xi32>
      %lt3A_597 = arith.cmpi slt, %sub3A_594, %lt3A_596 : vector<16xi32>
      %convert_element_type3A_598 = arith.sitofp %sub3A_594 : vector<16xi32> to vector<16xf32>
      %mul3A_599 = vector.broadcast %div3A_580 : f32 to vector<16xf32>
      %mul3A_600 = arith.mulf %convert_element_type3A_598, %mul3A_599 : vector<16xf32>
      %jit3A_601 = arith.constant -1.000000e+00 : f32
      %broadcast_in_dim3A_602 = vector.broadcast %jit3A_601 : f32 to vector<16xf32>
      %select_n3A_603 = arith.select %lt3A_597, %broadcast_in_dim3A_602, %mul3A_600 : vector<16xi1>, vector<16xf32>
      %eq3A_604 = arith.constant 255 : i32
      %eq3A_605 = vector.broadcast %eq3A_604 : i32 to vector<16xi32>
      %eq3A_606 = arith.cmpi eq, %min3A_591, %eq3A_605 : vector<16xi32>
      %convert_element_type3A_607 = arith.sitofp %min3A_591 : vector<16xi32> to vector<16xf32>
      %mul3A_608 = vector.broadcast %div3A_580 : f32 to vector<16xf32>
      %mul3A_609 = arith.mulf %convert_element_type3A_607, %mul3A_608 : vector<16xf32>
      %jit3A_610 = arith.constant 1.000000e+00 : f32
      %broadcast_in_dim3A_611 = vector.broadcast %jit3A_610 : f32 to vector<16xf32>
      %select_n3A_612 = arith.select %eq3A_606, %broadcast_in_dim3A_611, %mul3A_609 : vector<16xi1>, vector<16xf32>
      %lt3A_613 = arith.cmpf olt, %select_n3A_603, %gather3A_577 : vector<16xf32>
      %select_n3A_614 = arith.select %lt3A_613, %broadcast_in_dim3A_15, %broadcast_in_dim3A_17 : vector<16xi1>, vector<16xi32>
      %add3A_615 = arith.addi %sub3A_594, %select_n3A_614 : vector<16xi32>
      %lt3A_616 = arith.cmpf olt, %select_n3A_612, %gather3A_577 : vector<16xf32>
      %select_n3A_617 = arith.select %lt3A_616, %broadcast_in_dim3A_15, %broadcast_in_dim3A_17 : vector<16xi1>, vector<16xi32>
      %add3A_618 = arith.addi %add3A_615, %select_n3A_617 : vector<16xi32>
      %add3A_619 = vector.broadcast %add3A_433 : i32 to vector<16xi32>
      %add3A_620 = arith.addi %add3A_618, %add3A_619 : vector<16xi32>
      %swap3A_621 = arith.index_cast %add3A_435 : i32 to index
      %swap3A_622 = arith.constant 48 : index
      %swap3A_623 = tpu.vector_load %arg6[%swap3A_621, %swap3A_622] {strides = array<i32>} : memref<300x128xi32, #tpu.memory_space<vmem>>, vector<16xi32>,
      tpu.vector_store %arg6[%swap3A_621, %swap3A_622], %add3A_620 {strides = array<i32>} : memref<300x128xi32, #tpu.memory_space<vmem>>, vector<16xi32>,
      %gather3A_624 = tpu.vector_load_idx %arg5[%add3A_32, %add3A_58] : memref<128x128xf32, #tpu.memory_space<vmem>>[vector<16xi32>, vector<16xi32>], vector<16xf32>,
      %div3A_625 = arith.constant 1.000000e+00 : f32
      %div3A_626 = arith.constant 2.550000e+02 : f32
      %div3A_627 = arith.divf %div3A_625, %div3A_626 : f32
      %mul3A_628 = arith.constant 2.550000e+02 : f32
      %mul3A_629 = vector.broadcast %mul3A_628 : f32 to vector<16xf32>
      %mul3A_630 = arith.mulf %gather3A_624, %mul3A_629 : vector<16xf32>
      %convert_element_type3A_631 = arith.fptosi %mul3A_630 : vector<16xf32> to vector<16xi32>
      %convert_element_type3A_632 = arith.sitofp %convert_element_type3A_631 : vector<16xi32> to vector<16xf32>
      %gt3A_633 = arith.cmpf ogt, %mul3A_630, %convert_element_type3A_632 : vector<16xf32>
      %select_n3A_634 = arith.select %gt3A_633, %broadcast_in_dim3A_15, %broadcast_in_dim3A_17 : vector<16xi1>, vector<16xi32>
      %add3A_635 = arith.addi %convert_element_type3A_631, %select_n3A_634 : vector<16xi32>
      %min3A_636 = arith.constant 255 : i32
      %min3A_637 = vector.broadcast %min3A_636 : i32 to vector<16xi32>
      %min3A_638 = arith.minsi %add3A_635, %min3A_637 : vector<16xi32>
      %sub3A_639 = arith.constant 1 : i32
      %sub3A_640 = vector.broadcast %sub3A_639 : i32 to vector<16xi32>
      %sub3A_641 = arith.subi %min3A_638, %sub3A_640 : vector<16xi32>
      %lt3A_642 = arith.constant 0 : i32
      %lt3A_643 = vector.broadcast %lt3A_642 : i32 to vector<16xi32>
      %lt3A_644 = arith.cmpi slt, %sub3A_641, %lt3A_643 : vector<16xi32>
      %convert_element_type3A_645 = arith.sitofp %sub3A_641 : vector<16xi32> to vector<16xf32>
      %mul3A_646 = vector.broadcast %div3A_627 : f32 to vector<16xf32>
      %mul3A_647 = arith.mulf %convert_element_type3A_645, %mul3A_646 : vector<16xf32>
      %jit3A_648 = arith.constant -1.000000e+00 : f32
      %broadcast_in_dim3A_649 = vector.broadcast %jit3A_648 : f32 to vector<16xf32>
      %select_n3A_650 = arith.select %lt3A_644, %broadcast_in_dim3A_649, %mul3A_647 : vector<16xi1>, vector<16xf32>
      %eq3A_651 = arith.constant 255 : i32
      %eq3A_652 = vector.broadcast %eq3A_651 : i32 to vector<16xi32>
      %eq3A_653 = arith.cmpi eq, %min3A_638, %eq3A_652 : vector<16xi32>
      %convert_element_type3A_654 = arith.sitofp %min3A_638 : vector<16xi32> to vector<16xf32>
      %mul3A_655 = vector.broadcast %div3A_627 : f32 to vector<16xf32>
      %mul3A_656 = arith.mulf %convert_element_type3A_654, %mul3A_655 : vector<16xf32>
      %jit3A_657 = arith.constant 1.000000e+00 : f32
      %broadcast_in_dim3A_658 = vector.broadcast %jit3A_657 : f32 to vector<16xf32>
      %select_n3A_659 = arith.select %eq3A_653, %broadcast_in_dim3A_658, %mul3A_656 : vector<16xi1>, vector<16xf32>
      %lt3A_660 = arith.cmpf olt, %select_n3A_650, %gather3A_624 : vector<16xf32>
      %select_n3A_661 = arith.select %lt3A_660, %broadcast_in_dim3A_15, %broadcast_in_dim3A_17 : vector<16xi1>, vector<16xi32>
      %add3A_662 = arith.addi %sub3A_641, %select_n3A_661 : vector<16xi32>
      %lt3A_663 = arith.cmpf olt, %select_n3A_659, %gather3A_624 : vector<16xf32>
      %select_n3A_664 = arith.select %lt3A_663, %broadcast_in_dim3A_15, %broadcast_in_dim3A_17 : vector<16xi1>, vector<16xi32>
      %add3A_665 = arith.addi %add3A_662, %select_n3A_664 : vector<16xi32>
      %add3A_666 = vector.broadcast %add3A_433 : i32 to vector<16xi32>
      %add3A_667 = arith.addi %add3A_665, %add3A_666 : vector<16xi32>
      %swap3A_668 = arith.index_cast %add3A_435 : i32 to index
      %swap3A_669 = arith.constant 64 : index
      %swap3A_670 = tpu.vector_load %arg6[%swap3A_668, %swap3A_669] {strides = array<i32>} : memref<300x128xi32, #tpu.memory_space<vmem>>, vector<16xi32>,
      tpu.vector_store %arg6[%swap3A_668, %swap3A_669], %add3A_667 {strides = array<i32>} : memref<300x128xi32, #tpu.memory_space<vmem>>, vector<16xi32>,
      %gather3A_671 = tpu.vector_load_idx %arg5[%add3A_35, %add3A_58] : memref<128x128xf32, #tpu.memory_space<vmem>>[vector<16xi32>, vector<16xi32>], vector<16xf32>,
      %div3A_672 = arith.constant 1.000000e+00 : f32
      %div3A_673 = arith.constant 2.550000e+02 : f32
      %div3A_674 = arith.divf %div3A_672, %div3A_673 : f32
      %mul3A_675 = arith.constant 2.550000e+02 : f32
      %mul3A_676 = vector.broadcast %mul3A_675 : f32 to vector<16xf32>
      %mul3A_677 = arith.mulf %gather3A_671, %mul3A_676 : vector<16xf32>
      %convert_element_type3A_678 = arith.fptosi %mul3A_677 : vector<16xf32> to vector<16xi32>
      %convert_element_type3A_679 = arith.sitofp %convert_element_type3A_678 : vector<16xi32> to vector<16xf32>
      %gt3A_680 = arith.cmpf ogt, %mul3A_677, %convert_element_type3A_679 : vector<16xf32>
      %select_n3A_681 = arith.select %gt3A_680, %broadcast_in_dim3A_15, %broadcast_in_dim3A_17 : vector<16xi1>, vector<16xi32>
      %add3A_682 = arith.addi %convert_element_type3A_678, %select_n3A_681 : vector<16xi32>
      %min3A_683 = arith.constant 255 : i32
      %min3A_684 = vector.broadcast %min3A_683 : i32 to vector<16xi32>
      %min3A_685 = arith.minsi %add3A_682, %min3A_684 : vector<16xi32>
      %sub3A_686 = arith.constant 1 : i32
      %sub3A_687 = vector.broadcast %sub3A_686 : i32 to vector<16xi32>
      %sub3A_688 = arith.subi %min3A_685, %sub3A_687 : vector<16xi32>
      %lt3A_689 = arith.constant 0 : i32
      %lt3A_690 = vector.broadcast %lt3A_689 : i32 to vector<16xi32>
      %lt3A_691 = arith.cmpi slt, %sub3A_688, %lt3A_690 : vector<16xi32>
      %convert_element_type3A_692 = arith.sitofp %sub3A_688 : vector<16xi32> to vector<16xf32>
      %mul3A_693 = vector.broadcast %div3A_674 : f32 to vector<16xf32>
      %mul3A_694 = arith.mulf %convert_element_type3A_692, %mul3A_693 : vector<16xf32>
      %jit3A_695 = arith.constant -1.000000e+00 : f32
      %broadcast_in_dim3A_696 = vector.broadcast %jit3A_695 : f32 to vector<16xf32>
      %select_n3A_697 = arith.select %lt3A_691, %broadcast_in_dim3A_696, %mul3A_694 : vector<16xi1>, vector<16xf32>
      %eq3A_698 = arith.constant 255 : i32
      %eq3A_699 = vector.broadcast %eq3A_698 : i32 to vector<16xi32>
      %eq3A_700 = arith.cmpi eq, %min3A_685, %eq3A_699 : vector<16xi32>
      %convert_element_type3A_701 = arith.sitofp %min3A_685 : vector<16xi32> to vector<16xf32>
      %mul3A_702 = vector.broadcast %div3A_674 : f32 to vector<16xf32>
      %mul3A_703 = arith.mulf %convert_element_type3A_701, %mul3A_702 : vector<16xf32>
      %jit3A_704 = arith.constant 1.000000e+00 : f32
      %broadcast_in_dim3A_705 = vector.broadcast %jit3A_704 : f32 to vector<16xf32>
      %select_n3A_706 = arith.select %eq3A_700, %broadcast_in_dim3A_705, %mul3A_703 : vector<16xi1>, vector<16xf32>
      %lt3A_707 = arith.cmpf olt, %select_n3A_697, %gather3A_671 : vector<16xf32>
      %select_n3A_708 = arith.select %lt3A_707, %broadcast_in_dim3A_15, %broadcast_in_dim3A_17 : vector<16xi1>, vector<16xi32>
      %add3A_709 = arith.addi %sub3A_688, %select_n3A_708 : vector<16xi32>
      %lt3A_710 = arith.cmpf olt, %select_n3A_706, %gather3A_671 : vector<16xf32>
      %select_n3A_711 = arith.select %lt3A_710, %broadcast_in_dim3A_15, %broadcast_in_dim3A_17 : vector<16xi1>, vector<16xi32>
      %add3A_712 = arith.addi %add3A_709, %select_n3A_711 : vector<16xi32>
      %add3A_713 = vector.broadcast %add3A_433 : i32 to vector<16xi32>
      %add3A_714 = arith.addi %add3A_712, %add3A_713 : vector<16xi32>
      %swap3A_715 = arith.index_cast %add3A_435 : i32 to index
      %swap3A_716 = arith.constant 80 : index
      %swap3A_717 = tpu.vector_load %arg6[%swap3A_715, %swap3A_716] {strides = array<i32>} : memref<300x128xi32, #tpu.memory_space<vmem>>, vector<16xi32>,
      tpu.vector_store %arg6[%swap3A_715, %swap3A_716], %add3A_714 {strides = array<i32>} : memref<300x128xi32, #tpu.memory_space<vmem>>, vector<16xi32>,
      %gather3A_718 = tpu.vector_load_idx %arg5[%add3A_38, %add3A_58] : memref<128x128xf32, #tpu.memory_space<vmem>>[vector<16xi32>, vector<16xi32>], vector<16xf32>,
      %div3A_719 = arith.constant 1.000000e+00 : f32
      %div3A_720 = arith.constant 2.550000e+02 : f32
      %div3A_721 = arith.divf %div3A_719, %div3A_720 : f32
      %mul3A_722 = arith.constant 2.550000e+02 : f32
      %mul3A_723 = vector.broadcast %mul3A_722 : f32 to vector<16xf32>
      %mul3A_724 = arith.mulf %gather3A_718, %mul3A_723 : vector<16xf32>
      %convert_element_type3A_725 = arith.fptosi %mul3A_724 : vector<16xf32> to vector<16xi32>
      %convert_element_type3A_726 = arith.sitofp %convert_element_type3A_725 : vector<16xi32> to vector<16xf32>
      %gt3A_727 = arith.cmpf ogt, %mul3A_724, %convert_element_type3A_726 : vector<16xf32>
      %select_n3A_728 = arith.select %gt3A_727, %broadcast_in_dim3A_15, %broadcast_in_dim3A_17 : vector<16xi1>, vector<16xi32>
      %add3A_729 = arith.addi %convert_element_type3A_725, %select_n3A_728 : vector<16xi32>
      %min3A_730 = arith.constant 255 : i32
      %min3A_731 = vector.broadcast %min3A_730 : i32 to vector<16xi32>
      %min3A_732 = arith.minsi %add3A_729, %min3A_731 : vector<16xi32>
      %sub3A_733 = arith.constant 1 : i32
      %sub3A_734 = vector.broadcast %sub3A_733 : i32 to vector<16xi32>
      %sub3A_735 = arith.subi %min3A_732, %sub3A_734 : vector<16xi32>
      %lt3A_736 = arith.constant 0 : i32
      %lt3A_737 = vector.broadcast %lt3A_736 : i32 to vector<16xi32>
      %lt3A_738 = arith.cmpi slt, %sub3A_735, %lt3A_737 : vector<16xi32>
      %convert_element_type3A_739 = arith.sitofp %sub3A_735 : vector<16xi32> to vector<16xf32>
      %mul3A_740 = vector.broadcast %div3A_721 : f32 to vector<16xf32>
      %mul3A_741 = arith.mulf %convert_element_type3A_739, %mul3A_740 : vector<16xf32>
      %jit3A_742 = arith.constant -1.000000e+00 : f32
      %broadcast_in_dim3A_743 = vector.broadcast %jit3A_742 : f32 to vector<16xf32>
      %select_n3A_744 = arith.select %lt3A_738, %broadcast_in_dim3A_743, %mul3A_741 : vector<16xi1>, vector<16xf32>
      %eq3A_745 = arith.constant 255 : i32
      %eq3A_746 = vector.broadcast %eq3A_745 : i32 to vector<16xi32>
      %eq3A_747 = arith.cmpi eq, %min3A_732, %eq3A_746 : vector<16xi32>
      %convert_element_type3A_748 = arith.sitofp %min3A_732 : vector<16xi32> to vector<16xf32>
      %mul3A_749 = vector.broadcast %div3A_721 : f32 to vector<16xf32>
      %mul3A_750 = arith.mulf %convert_element_type3A_748, %mul3A_749 : vector<16xf32>
      %jit3A_751 = arith.constant 1.000000e+00 : f32
      %broadcast_in_dim3A_752 = vector.broadcast %jit3A_751 : f32 to vector<16xf32>
      %select_n3A_753 = arith.select %eq3A_747, %broadcast_in_dim3A_752, %mul3A_750 : vector<16xi1>, vector<16xf32>
      %lt3A_754 = arith.cmpf olt, %select_n3A_744, %gather3A_718 : vector<16xf32>
      %select_n3A_755 = arith.select %lt3A_754, %broadcast_in_dim3A_15, %broadcast_in_dim3A_17 : vector<16xi1>, vector<16xi32>
      %add3A_756 = arith.addi %sub3A_735, %select_n3A_755 : vector<16xi32>
      %lt3A_757 = arith.cmpf olt, %select_n3A_753, %gather3A_718 : vector<16xf32>
      %select_n3A_758 = arith.select %lt3A_757, %broadcast_in_dim3A_15, %broadcast_in_dim3A_17 : vector<16xi1>, vector<16xi32>
      %add3A_759 = arith.addi %add3A_756, %select_n3A_758 : vector<16xi32>
      %add3A_760 = vector.broadcast %add3A_433 : i32 to vector<16xi32>
      %add3A_761 = arith.addi %add3A_759, %add3A_760 : vector<16xi32>
      %swap3A_762 = arith.index_cast %add3A_435 : i32 to index
      %swap3A_763 = arith.constant 96 : index
      %swap3A_764 = tpu.vector_load %arg6[%swap3A_762, %swap3A_763] {strides = array<i32>} : memref<300x128xi32, #tpu.memory_space<vmem>>, vector<16xi32>,
      tpu.vector_store %arg6[%swap3A_762, %swap3A_763], %add3A_761 {strides = array<i32>} : memref<300x128xi32, #tpu.memory_space<vmem>>, vector<16xi32>,
      %gather3A_765 = tpu.vector_load_idx %arg5[%add3A_41, %add3A_58] : memref<128x128xf32, #tpu.memory_space<vmem>>[vector<16xi32>, vector<16xi32>], vector<16xf32>,
      %div3A_766 = arith.constant 1.000000e+00 : f32
      %div3A_767 = arith.constant 2.550000e+02 : f32
      %div3A_768 = arith.divf %div3A_766, %div3A_767 : f32
      %mul3A_769 = arith.constant 2.550000e+02 : f32
      %mul3A_770 = vector.broadcast %mul3A_769 : f32 to vector<16xf32>
      %mul3A_771 = arith.mulf %gather3A_765, %mul3A_770 : vector<16xf32>
      %convert_element_type3A_772 = arith.fptosi %mul3A_771 : vector<16xf32> to vector<16xi32>
      %convert_element_type3A_773 = arith.sitofp %convert_element_type3A_772 : vector<16xi32> to vector<16xf32>
      %gt3A_774 = arith.cmpf ogt, %mul3A_771, %convert_element_type3A_773 : vector<16xf32>
      %select_n3A_775 = arith.select %gt3A_774, %broadcast_in_dim3A_15, %broadcast_in_dim3A_17 : vector<16xi1>, vector<16xi32>
      %add3A_776 = arith.addi %convert_element_type3A_772, %select_n3A_775 : vector<16xi32>
      %min3A_777 = arith.constant 255 : i32
      %min3A_778 = vector.broadcast %min3A_777 : i32 to vector<16xi32>
      %min3A_779 = arith.minsi %add3A_776, %min3A_778 : vector<16xi32>
      %sub3A_780 = arith.constant 1 : i32
      %sub3A_781 = vector.broadcast %sub3A_780 : i32 to vector<16xi32>
      %sub3A_782 = arith.subi %min3A_779, %sub3A_781 : vector<16xi32>
      %lt3A_783 = arith.constant 0 : i32
      %lt3A_784 = vector.broadcast %lt3A_783 : i32 to vector<16xi32>
      %lt3A_785 = arith.cmpi slt, %sub3A_782, %lt3A_784 : vector<16xi32>
      %convert_element_type3A_786 = arith.sitofp %sub3A_782 : vector<16xi32> to vector<16xf32>
      %mul3A_787 = vector.broadcast %div3A_768 : f32 to vector<16xf32>
      %mul3A_788 = arith.mulf %convert_element_type3A_786, %mul3A_787 : vector<16xf32>
      %jit3A_789 = arith.constant -1.000000e+00 : f32
      %broadcast_in_dim3A_790 = vector.broadcast %jit3A_789 : f32 to vector<16xf32>
      %select_n3A_791 = arith.select %lt3A_785, %broadcast_in_dim3A_790, %mul3A_788 : vector<16xi1>, vector<16xf32>
      %eq3A_792 = arith.constant 255 : i32
      %eq3A_793 = vector.broadcast %eq3A_792 : i32 to vector<16xi32>
      %eq3A_794 = arith.cmpi eq, %min3A_779, %eq3A_793 : vector<16xi32>
      %convert_element_type3A_795 = arith.sitofp %min3A_779 : vector<16xi32> to vector<16xf32>
      %mul3A_796 = vector.broadcast %div3A_768 : f32 to vector<16xf32>
      %mul3A_797 = arith.mulf %convert_element_type3A_795, %mul3A_796 : vector<16xf32>
      %jit3A_798 = arith.constant 1.000000e+00 : f32
      %broadcast_in_dim3A_799 = vector.broadcast %jit3A_798 : f32 to vector<16xf32>
      %select_n3A_800 = arith.select %eq3A_794, %broadcast_in_dim3A_799, %mul3A_797 : vector<16xi1>, vector<16xf32>
      %lt3A_801 = arith.cmpf olt, %select_n3A_791, %gather3A_765 : vector<16xf32>
      %select_n3A_802 = arith.select %lt3A_801, %broadcast_in_dim3A_15, %broadcast_in_dim3A_17 : vector<16xi1>, vector<16xi32>
      %add3A_803 = arith.addi %sub3A_782, %select_n3A_802 : vector<16xi32>
      %lt3A_804 = arith.cmpf olt, %select_n3A_800, %gather3A_765 : vector<16xf32>
      %select_n3A_805 = arith.select %lt3A_804, %broadcast_in_dim3A_15, %broadcast_in_dim3A_17 : vector<16xi1>, vector<16xi32>
      %add3A_806 = arith.addi %add3A_803, %select_n3A_805 : vector<16xi32>
      %add3A_807 = vector.broadcast %add3A_433 : i32 to vector<16xi32>
      %add3A_808 = arith.addi %add3A_806, %add3A_807 : vector<16xi32>
      %swap3A_809 = arith.index_cast %add3A_435 : i32 to index
      %swap3A_810 = arith.constant 112 : index
      %swap3A_811 = tpu.vector_load %arg6[%swap3A_809, %swap3A_810] {strides = array<i32>} : memref<300x128xi32, #tpu.memory_space<vmem>>, vector<16xi32>,
      tpu.vector_store %arg6[%swap3A_809, %swap3A_810], %add3A_808 {strides = array<i32>} : memref<300x128xi32, #tpu.memory_space<vmem>>, vector<16xi32>,
      %mul3A_812 = arith.constant 1025 : i32
      %mul3A_813 = arith.muli %add3A_56, %mul3A_812 : i32
      %add3A_814 = arith.constant 33900 : i32
      %add3A_815 = arith.addi %mul3A_813, %add3A_814 : i32
      %add3A_816 = arith.constant 200 : i32
      %add3A_817 = arith.addi %add3A_816, %add3A_56 : i32
      %gather3A_818 = tpu.vector_load_idx %arg5[%add3A_20, %add3A_58] : memref<128x128xf32, #tpu.memory_space<vmem>>[vector<16xi32>, vector<16xi32>], vector<16xf32>,
      %div3A_819 = arith.constant 1.000000e+00 : f32
      %div3A_820 = arith.constant 1.023000e+03 : f32
      %div3A_821 = arith.divf %div3A_819, %div3A_820 : f32
      %mul3A_822 = arith.constant 1.023000e+03 : f32
      %mul3A_823 = vector.broadcast %mul3A_822 : f32 to vector<16xf32>
      %mul3A_824 = arith.mulf %gather3A_818, %mul3A_823 : vector<16xf32>
      %convert_element_type3A_825 = arith.fptosi %mul3A_824 : vector<16xf32> to vector<16xi32>
      %convert_element_type3A_826 = arith.sitofp %convert_element_type3A_825 : vector<16xi32> to vector<16xf32>
      %gt3A_827 = arith.cmpf ogt, %mul3A_824, %convert_element_type3A_826 : vector<16xf32>
      %select_n3A_828 = arith.select %gt3A_827, %broadcast_in_dim3A_15, %broadcast_in_dim3A_17 : vector<16xi1>, vector<16xi32>
      %add3A_829 = arith.addi %convert_element_type3A_825, %select_n3A_828 : vector<16xi32>
      %min3A_830 = arith.constant 1023 : i32
      %min3A_831 = vector.broadcast %min3A_830 : i32 to vector<16xi32>
      %min3A_832 = arith.minsi %add3A_829, %min3A_831 : vector<16xi32>
      %sub3A_833 = arith.constant 1 : i32
      %sub3A_834 = vector.broadcast %sub3A_833 : i32 to vector<16xi32>
      %sub3A_835 = arith.subi %min3A_832, %sub3A_834 : vector<16xi32>
      %lt3A_836 = arith.constant 0 : i32
      %lt3A_837 = vector.broadcast %lt3A_836 : i32 to vector<16xi32>
      %lt3A_838 = arith.cmpi slt, %sub3A_835, %lt3A_837 : vector<16xi32>
      %convert_element_type3A_839 = arith.sitofp %sub3A_835 : vector<16xi32> to vector<16xf32>
      %mul3A_840 = vector.broadcast %div3A_821 : f32 to vector<16xf32>
      %mul3A_841 = arith.mulf %convert_element_type3A_839, %mul3A_840 : vector<16xf32>
      %jit3A_842 = arith.constant -1.000000e+00 : f32
      %broadcast_in_dim3A_843 = vector.broadcast %jit3A_842 : f32 to vector<16xf32>
      %select_n3A_844 = arith.select %lt3A_838, %broadcast_in_dim3A_843, %mul3A_841 : vector<16xi1>, vector<16xf32>
      %eq3A_845 = arith.constant 1023 : i32
      %eq3A_846 = vector.broadcast %eq3A_845 : i32 to vector<16xi32>
      %eq3A_847 = arith.cmpi eq, %min3A_832, %eq3A_846 : vector<16xi32>
      %convert_element_type3A_848 = arith.sitofp %min3A_832 : vector<16xi32> to vector<16xf32>
      %mul3A_849 = vector.broadcast %div3A_821 : f32 to vector<16xf32>
      %mul3A_850 = arith.mulf %convert_element_type3A_848, %mul3A_849 : vector<16xf32>
      %jit3A_851 = arith.constant 1.000000e+00 : f32
      %broadcast_in_dim3A_852 = vector.broadcast %jit3A_851 : f32 to vector<16xf32>
      %select_n3A_853 = arith.select %eq3A_847, %broadcast_in_dim3A_852, %mul3A_850 : vector<16xi1>, vector<16xf32>
      %lt3A_854 = arith.cmpf olt, %select_n3A_844, %gather3A_818 : vector<16xf32>
      %select_n3A_855 = arith.select %lt3A_854, %broadcast_in_dim3A_15, %broadcast_in_dim3A_17 : vector<16xi1>, vector<16xi32>
      %add3A_856 = arith.addi %sub3A_835, %select_n3A_855 : vector<16xi32>
      %lt3A_857 = arith.cmpf olt, %select_n3A_853, %gather3A_818 : vector<16xf32>
      %select_n3A_858 = arith.select %lt3A_857, %broadcast_in_dim3A_15, %broadcast_in_dim3A_17 : vector<16xi1>, vector<16xi32>
      %add3A_859 = arith.addi %add3A_856, %select_n3A_858 : vector<16xi32>
      %add3A_860 = vector.broadcast %add3A_815 : i32 to vector<16xi32>
      %add3A_861 = arith.addi %add3A_859, %add3A_860 : vector<16xi32>
      %swap3A_862 = arith.index_cast %add3A_817 : i32 to index
      %swap3A_863 = arith.constant 0 : index
      %swap3A_864 = tpu.vector_load %arg6[%swap3A_862, %swap3A_863] {strides = array<i32>} : memref<300x128xi32, #tpu.memory_space<vmem>>, vector<16xi32>,
      tpu.vector_store %arg6[%swap3A_862, %swap3A_863], %add3A_861 {strides = array<i32>} : memref<300x128xi32, #tpu.memory_space<vmem>>, vector<16xi32>,
      %gather3A_865 = tpu.vector_load_idx %arg5[%add3A_23, %add3A_58] : memref<128x128xf32, #tpu.memory_space<vmem>>[vector<16xi32>, vector<16xi32>], vector<16xf32>,
      %div3A_866 = arith.constant 1.000000e+00 : f32
      %div3A_867 = arith.constant 1.023000e+03 : f32
      %div3A_868 = arith.divf %div3A_866, %div3A_867 : f32
      %mul3A_869 = arith.constant 1.023000e+03 : f32
      %mul3A_870 = vector.broadcast %mul3A_869 : f32 to vector<16xf32>
      %mul3A_871 = arith.mulf %gather3A_865, %mul3A_870 : vector<16xf32>
      %convert_element_type3A_872 = arith.fptosi %mul3A_871 : vector<16xf32> to vector<16xi32>
      %convert_element_type3A_873 = arith.sitofp %convert_element_type3A_872 : vector<16xi32> to vector<16xf32>
      %gt3A_874 = arith.cmpf ogt, %mul3A_871, %convert_element_type3A_873 : vector<16xf32>
      %select_n3A_875 = arith.select %gt3A_874, %broadcast_in_dim3A_15, %broadcast_in_dim3A_17 : vector<16xi1>, vector<16xi32>
      %add3A_876 = arith.addi %convert_element_type3A_872, %select_n3A_875 : vector<16xi32>
      %min3A_877 = arith.constant 1023 : i32
      %min3A_878 = vector.broadcast %min3A_877 : i32 to vector<16xi32>
      %min3A_879 = arith.minsi %add3A_876, %min3A_878 : vector<16xi32>
      %sub3A_880 = arith.constant 1 : i32
      %sub3A_881 = vector.broadcast %sub3A_880 : i32 to vector<16xi32>
      %sub3A_882 = arith.subi %min3A_879, %sub3A_881 : vector<16xi32>
      %lt3A_883 = arith.constant 0 : i32
      %lt3A_884 = vector.broadcast %lt3A_883 : i32 to vector<16xi32>
      %lt3A_885 = arith.cmpi slt, %sub3A_882, %lt3A_884 : vector<16xi32>
      %convert_element_type3A_886 = arith.sitofp %sub3A_882 : vector<16xi32> to vector<16xf32>
      %mul3A_887 = vector.broadcast %div3A_868 : f32 to vector<16xf32>
      %mul3A_888 = arith.mulf %convert_element_type3A_886, %mul3A_887 : vector<16xf32>
      %jit3A_889 = arith.constant -1.000000e+00 : f32
      %broadcast_in_dim3A_890 = vector.broadcast %jit3A_889 : f32 to vector<16xf32>
      %select_n3A_891 = arith.select %lt3A_885, %broadcast_in_dim3A_890, %mul3A_888 : vector<16xi1>, vector<16xf32>
      %eq3A_892 = arith.constant 1023 : i32
      %eq3A_893 = vector.broadcast %eq3A_892 : i32 to vector<16xi32>
      %eq3A_894 = arith.cmpi eq, %min3A_879, %eq3A_893 : vector<16xi32>
      %convert_element_type3A_895 = arith.sitofp %min3A_879 : vector<16xi32> to vector<16xf32>
      %mul3A_896 = vector.broadcast %div3A_868 : f32 to vector<16xf32>
      %mul3A_897 = arith.mulf %convert_element_type3A_895, %mul3A_896 : vector<16xf32>
      %jit3A_898 = arith.constant 1.000000e+00 : f32
      %broadcast_in_dim3A_899 = vector.broadcast %jit3A_898 : f32 to vector<16xf32>
      %select_n3A_900 = arith.select %eq3A_894, %broadcast_in_dim3A_899, %mul3A_897 : vector<16xi1>, vector<16xf32>
      %lt3A_901 = arith.cmpf olt, %select_n3A_891, %gather3A_865 : vector<16xf32>
      %select_n3A_902 = arith.select %lt3A_901, %broadcast_in_dim3A_15, %broadcast_in_dim3A_17 : vector<16xi1>, vector<16xi32>
      %add3A_903 = arith.addi %sub3A_882, %select_n3A_902 : vector<16xi32>
      %lt3A_904 = arith.cmpf olt, %select_n3A_900, %gather3A_865 : vector<16xf32>
      %select_n3A_905 = arith.select %lt3A_904, %broadcast_in_dim3A_15, %broadcast_in_dim3A_17 : vector<16xi1>, vector<16xi32>
      %add3A_906 = arith.addi %add3A_903, %select_n3A_905 : vector<16xi32>
      %add3A_907 = vector.broadcast %add3A_815 : i32 to vector<16xi32>
      %add3A_908 = arith.addi %add3A_906, %add3A_907 : vector<16xi32>
      %swap3A_909 = arith.index_cast %add3A_817 : i32 to index
      %swap3A_910 = arith.constant 16 : index
      %swap3A_911 = tpu.vector_load %arg6[%swap3A_909, %swap3A_910] {strides = array<i32>} : memref<300x128xi32, #tpu.memory_space<vmem>>, vector<16xi32>,
      tpu.vector_store %arg6[%swap3A_909, %swap3A_910], %add3A_908 {strides = array<i32>} : memref<300x128xi32, #tpu.memory_space<vmem>>, vector<16xi32>,
      %gather3A_912 = tpu.vector_load_idx %arg5[%add3A_26, %add3A_58] : memref<128x128xf32, #tpu.memory_space<vmem>>[vector<16xi32>, vector<16xi32>], vector<16xf32>,
      %div3A_913 = arith.constant 1.000000e+00 : f32
      %div3A_914 = arith.constant 1.023000e+03 : f32
      %div3A_915 = arith.divf %div3A_913, %div3A_914 : f32
      %mul3A_916 = arith.constant 1.023000e+03 : f32
      %mul3A_917 = vector.broadcast %mul3A_916 : f32 to vector<16xf32>
      %mul3A_918 = arith.mulf %gather3A_912, %mul3A_917 : vector<16xf32>
      %convert_element_type3A_919 = arith.fptosi %mul3A_918 : vector<16xf32> to vector<16xi32>
      %convert_element_type3A_920 = arith.sitofp %convert_element_type3A_919 : vector<16xi32> to vector<16xf32>
      %gt3A_921 = arith.cmpf ogt, %mul3A_918, %convert_element_type3A_920 : vector<16xf32>
      %select_n3A_922 = arith.select %gt3A_921, %broadcast_in_dim3A_15, %broadcast_in_dim3A_17 : vector<16xi1>, vector<16xi32>
      %add3A_923 = arith.addi %convert_element_type3A_919, %select_n3A_922 : vector<16xi32>
      %min3A_924 = arith.constant 1023 : i32
      %min3A_925 = vector.broadcast %min3A_924 : i32 to vector<16xi32>
      %min3A_926 = arith.minsi %add3A_923, %min3A_925 : vector<16xi32>
      %sub3A_927 = arith.constant 1 : i32
      %sub3A_928 = vector.broadcast %sub3A_927 : i32 to vector<16xi32>
      %sub3A_929 = arith.subi %min3A_926, %sub3A_928 : vector<16xi32>
      %lt3A_930 = arith.constant 0 : i32
      %lt3A_931 = vector.broadcast %lt3A_930 : i32 to vector<16xi32>
      %lt3A_932 = arith.cmpi slt, %sub3A_929, %lt3A_931 : vector<16xi32>
      %convert_element_type3A_933 = arith.sitofp %sub3A_929 : vector<16xi32> to vector<16xf32>
      %mul3A_934 = vector.broadcast %div3A_915 : f32 to vector<16xf32>
      %mul3A_935 = arith.mulf %convert_element_type3A_933, %mul3A_934 : vector<16xf32>
      %jit3A_936 = arith.constant -1.000000e+00 : f32
      %broadcast_in_dim3A_937 = vector.broadcast %jit3A_936 : f32 to vector<16xf32>
      %select_n3A_938 = arith.select %lt3A_932, %broadcast_in_dim3A_937, %mul3A_935 : vector<16xi1>, vector<16xf32>
      %eq3A_939 = arith.constant 1023 : i32
      %eq3A_940 = vector.broadcast %eq3A_939 : i32 to vector<16xi32>
      %eq3A_941 = arith.cmpi eq, %min3A_926, %eq3A_940 : vector<16xi32>
      %convert_element_type3A_942 = arith.sitofp %min3A_926 : vector<16xi32> to vector<16xf32>
      %mul3A_943 = vector.broadcast %div3A_915 : f32 to vector<16xf32>
      %mul3A_944 = arith.mulf %convert_element_type3A_942, %mul3A_943 : vector<16xf32>
      %jit3A_945 = arith.constant 1.000000e+00 : f32
      %broadcast_in_dim3A_946 = vector.broadcast %jit3A_945 : f32 to vector<16xf32>
      %select_n3A_947 = arith.select %eq3A_941, %broadcast_in_dim3A_946, %mul3A_944 : vector<16xi1>, vector<16xf32>
      %lt3A_948 = arith.cmpf olt, %select_n3A_938, %gather3A_912 : vector<16xf32>
      %select_n3A_949 = arith.select %lt3A_948, %broadcast_in_dim3A_15, %broadcast_in_dim3A_17 : vector<16xi1>, vector<16xi32>
      %add3A_950 = arith.addi %sub3A_929, %select_n3A_949 : vector<16xi32>
      %lt3A_951 = arith.cmpf olt, %select_n3A_947, %gather3A_912 : vector<16xf32>
      %select_n3A_952 = arith.select %lt3A_951, %broadcast_in_dim3A_15, %broadcast_in_dim3A_17 : vector<16xi1>, vector<16xi32>
      %add3A_953 = arith.addi %add3A_950, %select_n3A_952 : vector<16xi32>
      %add3A_954 = vector.broadcast %add3A_815 : i32 to vector<16xi32>
      %add3A_955 = arith.addi %add3A_953, %add3A_954 : vector<16xi32>
      %swap3A_956 = arith.index_cast %add3A_817 : i32 to index
      %swap3A_957 = arith.constant 32 : index
      %swap3A_958 = tpu.vector_load %arg6[%swap3A_956, %swap3A_957] {strides = array<i32>} : memref<300x128xi32, #tpu.memory_space<vmem>>, vector<16xi32>,
      tpu.vector_store %arg6[%swap3A_956, %swap3A_957], %add3A_955 {strides = array<i32>} : memref<300x128xi32, #tpu.memory_space<vmem>>, vector<16xi32>,
      %gather3A_959 = tpu.vector_load_idx %arg5[%add3A_29, %add3A_58] : memref<128x128xf32, #tpu.memory_space<vmem>>[vector<16xi32>, vector<16xi32>], vector<16xf32>,
      %div3A_960 = arith.constant 1.000000e+00 : f32
      %div3A_961 = arith.constant 1.023000e+03 : f32
      %div3A_962 = arith.divf %div3A_960, %div3A_961 : f32
      %mul3A_963 = arith.constant 1.023000e+03 : f32
      %mul3A_964 = vector.broadcast %mul3A_963 : f32 to vector<16xf32>
      %mul3A_965 = arith.mulf %gather3A_959, %mul3A_964 : vector<16xf32>
      %convert_element_type3A_966 = arith.fptosi %mul3A_965 : vector<16xf32> to vector<16xi32>
      %convert_element_type3A_967 = arith.sitofp %convert_element_type3A_966 : vector<16xi32> to vector<16xf32>
      %gt3A_968 = arith.cmpf ogt, %mul3A_965, %convert_element_type3A_967 : vector<16xf32>
      %select_n3A_969 = arith.select %gt3A_968, %broadcast_in_dim3A_15, %broadcast_in_dim3A_17 : vector<16xi1>, vector<16xi32>
      %add3A_970 = arith.addi %convert_element_type3A_966, %select_n3A_969 : vector<16xi32>
      %min3A_971 = arith.constant 1023 : i32
      %min3A_972 = vector.broadcast %min3A_971 : i32 to vector<16xi32>
      %min3A_973 = arith.minsi %add3A_970, %min3A_972 : vector<16xi32>
      %sub3A_974 = arith.constant 1 : i32
      %sub3A_975 = vector.broadcast %sub3A_974 : i32 to vector<16xi32>
      %sub3A_976 = arith.subi %min3A_973, %sub3A_975 : vector<16xi32>
      %lt3A_977 = arith.constant 0 : i32
      %lt3A_978 = vector.broadcast %lt3A_977 : i32 to vector<16xi32>
      %lt3A_979 = arith.cmpi slt, %sub3A_976, %lt3A_978 : vector<16xi32>
      %convert_element_type3A_980 = arith.sitofp %sub3A_976 : vector<16xi32> to vector<16xf32>
      %mul3A_981 = vector.broadcast %div3A_962 : f32 to vector<16xf32>
      %mul3A_982 = arith.mulf %convert_element_type3A_980, %mul3A_981 : vector<16xf32>
      %jit3A_983 = arith.constant -1.000000e+00 : f32
      %broadcast_in_dim3A_984 = vector.broadcast %jit3A_983 : f32 to vector<16xf32>
      %select_n3A_985 = arith.select %lt3A_979, %broadcast_in_dim3A_984, %mul3A_982 : vector<16xi1>, vector<16xf32>
      %eq3A_986 = arith.constant 1023 : i32
      %eq3A_987 = vector.broadcast %eq3A_986 : i32 to vector<16xi32>
      %eq3A_988 = arith.cmpi eq, %min3A_973, %eq3A_987 : vector<16xi32>
      %convert_element_type3A_989 = arith.sitofp %min3A_973 : vector<16xi32> to vector<16xf32>
      %mul3A_990 = vector.broadcast %div3A_962 : f32 to vector<16xf32>
      %mul3A_991 = arith.mulf %convert_element_type3A_989, %mul3A_990 : vector<16xf32>
      %jit3A_992 = arith.constant 1.000000e+00 : f32
      %broadcast_in_dim3A_993 = vector.broadcast %jit3A_992 : f32 to vector<16xf32>
      %select_n3A_994 = arith.select %eq3A_988, %broadcast_in_dim3A_993, %mul3A_991 : vector<16xi1>, vector<16xf32>
      %lt3A_995 = arith.cmpf olt, %select_n3A_985, %gather3A_959 : vector<16xf32>
      %select_n3A_996 = arith.select %lt3A_995, %broadcast_in_dim3A_15, %broadcast_in_dim3A_17 : vector<16xi1>, vector<16xi32>
      %add3A_997 = arith.addi %sub3A_976, %select_n3A_996 : vector<16xi32>
      %lt3A_998 = arith.cmpf olt, %select_n3A_994, %gather3A_959 : vector<16xf32>
      %select_n3A_999 = arith.select %lt3A_998, %broadcast_in_dim3A_15, %broadcast_in_dim3A_17 : vector<16xi1>, vector<16xi32>
      %add3A_1000 = arith.addi %add3A_997, %select_n3A_999 : vector<16xi32>
      %add3A_1001 = vector.broadcast %add3A_815 : i32 to vector<16xi32>
      %add3A_1002 = arith.addi %add3A_1000, %add3A_1001 : vector<16xi32>
      %swap3A_1003 = arith.index_cast %add3A_817 : i32 to index
      %swap3A_1004 = arith.constant 48 : index
      %swap3A_1005 = tpu.vector_load %arg6[%swap3A_1003, %swap3A_1004] {strides = array<i32>} : memref<300x128xi32, #tpu.memory_space<vmem>>, vector<16xi32>,
      tpu.vector_store %arg6[%swap3A_1003, %swap3A_1004], %add3A_1002 {strides = array<i32>} : memref<300x128xi32, #tpu.memory_space<vmem>>, vector<16xi32>,
      %gather3A_1006 = tpu.vector_load_idx %arg5[%add3A_32, %add3A_58] : memref<128x128xf32, #tpu.memory_space<vmem>>[vector<16xi32>, vector<16xi32>], vector<16xf32>,
      %div3A_1007 = arith.constant 1.000000e+00 : f32
      %div3A_1008 = arith.constant 1.023000e+03 : f32
      %div3A_1009 = arith.divf %div3A_1007, %div3A_1008 : f32
      %mul3A_1010 = arith.constant 1.023000e+03 : f32
      %mul3A_1011 = vector.broadcast %mul3A_1010 : f32 to vector<16xf32>
      %mul3A_1012 = arith.mulf %gather3A_1006, %mul3A_1011 : vector<16xf32>
      %convert_element_type3A_1013 = arith.fptosi %mul3A_1012 : vector<16xf32> to vector<16xi32>
      %convert_element_type3A_1014 = arith.sitofp %convert_element_type3A_1013 : vector<16xi32> to vector<16xf32>
      %gt3A_1015 = arith.cmpf ogt, %mul3A_1012, %convert_element_type3A_1014 : vector<16xf32>
      %select_n3A_1016 = arith.select %gt3A_1015, %broadcast_in_dim3A_15, %broadcast_in_dim3A_17 : vector<16xi1>, vector<16xi32>
      %add3A_1017 = arith.addi %convert_element_type3A_1013, %select_n3A_1016 : vector<16xi32>
      %min3A_1018 = arith.constant 1023 : i32
      %min3A_1019 = vector.broadcast %min3A_1018 : i32 to vector<16xi32>
      %min3A_1020 = arith.minsi %add3A_1017, %min3A_1019 : vector<16xi32>
      %sub3A_1021 = arith.constant 1 : i32
      %sub3A_1022 = vector.broadcast %sub3A_1021 : i32 to vector<16xi32>
      %sub3A_1023 = arith.subi %min3A_1020, %sub3A_1022 : vector<16xi32>
      %lt3A_1024 = arith.constant 0 : i32
      %lt3A_1025 = vector.broadcast %lt3A_1024 : i32 to vector<16xi32>
      %lt3A_1026 = arith.cmpi slt, %sub3A_1023, %lt3A_1025 : vector<16xi32>
      %convert_element_type3A_1027 = arith.sitofp %sub3A_1023 : vector<16xi32> to vector<16xf32>
      %mul3A_1028 = vector.broadcast %div3A_1009 : f32 to vector<16xf32>
      %mul3A_1029 = arith.mulf %convert_element_type3A_1027, %mul3A_1028 : vector<16xf32>
      %jit3A_1030 = arith.constant -1.000000e+00 : f32
      %broadcast_in_dim3A_1031 = vector.broadcast %jit3A_1030 : f32 to vector<16xf32>
      %select_n3A_1032 = arith.select %lt3A_1026, %broadcast_in_dim3A_1031, %mul3A_1029 : vector<16xi1>, vector<16xf32>
      %eq3A_1033 = arith.constant 1023 : i32
      %eq3A_1034 = vector.broadcast %eq3A_1033 : i32 to vector<16xi32>
      %eq3A_1035 = arith.cmpi eq, %min3A_1020, %eq3A_1034 : vector<16xi32>
      %convert_element_type3A_1036 = arith.sitofp %min3A_1020 : vector<16xi32> to vector<16xf32>
      %mul3A_1037 = vector.broadcast %div3A_1009 : f32 to vector<16xf32>
      %mul3A_1038 = arith.mulf %convert_element_type3A_1036, %mul3A_1037 : vector<16xf32>
      %jit3A_1039 = arith.constant 1.000000e+00 : f32
      %broadcast_in_dim3A_1040 = vector.broadcast %jit3A_1039 : f32 to vector<16xf32>
      %select_n3A_1041 = arith.select %eq3A_1035, %broadcast_in_dim3A_1040, %mul3A_1038 : vector<16xi1>, vector<16xf32>
      %lt3A_1042 = arith.cmpf olt, %select_n3A_1032, %gather3A_1006 : vector<16xf32>
      %select_n3A_1043 = arith.select %lt3A_1042, %broadcast_in_dim3A_15, %broadcast_in_dim3A_17 : vector<16xi1>, vector<16xi32>
      %add3A_1044 = arith.addi %sub3A_1023, %select_n3A_1043 : vector<16xi32>
      %lt3A_1045 = arith.cmpf olt, %select_n3A_1041, %gather3A_1006 : vector<16xf32>
      %select_n3A_1046 = arith.select %lt3A_1045, %broadcast_in_dim3A_15, %broadcast_in_dim3A_17 : vector<16xi1>, vector<16xi32>
      %add3A_1047 = arith.addi %add3A_1044, %select_n3A_1046 : vector<16xi32>
      %add3A_1048 = vector.broadcast %add3A_815 : i32 to vector<16xi32>
      %add3A_1049 = arith.addi %add3A_1047, %add3A_1048 : vector<16xi32>
      %swap3A_1050 = arith.index_cast %add3A_817 : i32 to index
      %swap3A_1051 = arith.constant 64 : index
      %swap3A_1052 = tpu.vector_load %arg6[%swap3A_1050, %swap3A_1051] {strides = array<i32>} : memref<300x128xi32, #tpu.memory_space<vmem>>, vector<16xi32>,
      tpu.vector_store %arg6[%swap3A_1050, %swap3A_1051], %add3A_1049 {strides = array<i32>} : memref<300x128xi32, #tpu.memory_space<vmem>>, vector<16xi32>,
      %gather3A_1053 = tpu.vector_load_idx %arg5[%add3A_35, %add3A_58] : memref<128x128xf32, #tpu.memory_space<vmem>>[vector<16xi32>, vector<16xi32>], vector<16xf32>,
      %div3A_1054 = arith.constant 1.000000e+00 : f32
      %div3A_1055 = arith.constant 1.023000e+03 : f32
      %div3A_1056 = arith.divf %div3A_1054, %div3A_1055 : f32
      %mul3A_1057 = arith.constant 1.023000e+03 : f32
      %mul3A_1058 = vector.broadcast %mul3A_1057 : f32 to vector<16xf32>
      %mul3A_1059 = arith.mulf %gather3A_1053, %mul3A_1058 : vector<16xf32>
      %convert_element_type3A_1060 = arith.fptosi %mul3A_1059 : vector<16xf32> to vector<16xi32>
      %convert_element_type3A_1061 = arith.sitofp %convert_element_type3A_1060 : vector<16xi32> to vector<16xf32>
      %gt3A_1062 = arith.cmpf ogt, %mul3A_1059, %convert_element_type3A_1061 : vector<16xf32>
      %select_n3A_1063 = arith.select %gt3A_1062, %broadcast_in_dim3A_15, %broadcast_in_dim3A_17 : vector<16xi1>, vector<16xi32>
      %add3A_1064 = arith.addi %convert_element_type3A_1060, %select_n3A_1063 : vector<16xi32>
      %min3A_1065 = arith.constant 1023 : i32
      %min3A_1066 = vector.broadcast %min3A_1065 : i32 to vector<16xi32>
      %min3A_1067 = arith.minsi %add3A_1064, %min3A_1066 : vector<16xi32>
      %sub3A_1068 = arith.constant 1 : i32
      %sub3A_1069 = vector.broadcast %sub3A_1068 : i32 to vector<16xi32>
      %sub3A_1070 = arith.subi %min3A_1067, %sub3A_1069 : vector<16xi32>
      %lt3A_1071 = arith.constant 0 : i32
      %lt3A_1072 = vector.broadcast %lt3A_1071 : i32 to vector<16xi32>
      %lt3A_1073 = arith.cmpi slt, %sub3A_1070, %lt3A_1072 : vector<16xi32>
      %convert_element_type3A_1074 = arith.sitofp %sub3A_1070 : vector<16xi32> to vector<16xf32>
      %mul3A_1075 = vector.broadcast %div3A_1056 : f32 to vector<16xf32>
      %mul3A_1076 = arith.mulf %convert_element_type3A_1074, %mul3A_1075 : vector<16xf32>
      %jit3A_1077 = arith.constant -1.000000e+00 : f32
      %broadcast_in_dim3A_1078 = vector.broadcast %jit3A_1077 : f32 to vector<16xf32>
      %select_n3A_1079 = arith.select %lt3A_1073, %broadcast_in_dim3A_1078, %mul3A_1076 : vector<16xi1>, vector<16xf32>
      %eq3A_1080 = arith.constant 1023 : i32
      %eq3A_1081 = vector.broadcast %eq3A_1080 : i32 to vector<16xi32>
      %eq3A_1082 = arith.cmpi eq, %min3A_1067, %eq3A_1081 : vector<16xi32>
      %convert_element_type3A_1083 = arith.sitofp %min3A_1067 : vector<16xi32> to vector<16xf32>
      %mul3A_1084 = vector.broadcast %div3A_1056 : f32 to vector<16xf32>
      %mul3A_1085 = arith.mulf %convert_element_type3A_1083, %mul3A_1084 : vector<16xf32>
      %jit3A_1086 = arith.constant 1.000000e+00 : f32
      %broadcast_in_dim3A_1087 = vector.broadcast %jit3A_1086 : f32 to vector<16xf32>
      %select_n3A_1088 = arith.select %eq3A_1082, %broadcast_in_dim3A_1087, %mul3A_1085 : vector<16xi1>, vector<16xf32>
      %lt3A_1089 = arith.cmpf olt, %select_n3A_1079, %gather3A_1053 : vector<16xf32>
      %select_n3A_1090 = arith.select %lt3A_1089, %broadcast_in_dim3A_15, %broadcast_in_dim3A_17 : vector<16xi1>, vector<16xi32>
      %add3A_1091 = arith.addi %sub3A_1070, %select_n3A_1090 : vector<16xi32>
      %lt3A_1092 = arith.cmpf olt, %select_n3A_1088, %gather3A_1053 : vector<16xf32>
      %select_n3A_1093 = arith.select %lt3A_1092, %broadcast_in_dim3A_15, %broadcast_in_dim3A_17 : vector<16xi1>, vector<16xi32>
      %add3A_1094 = arith.addi %add3A_1091, %select_n3A_1093 : vector<16xi32>
      %add3A_1095 = vector.broadcast %add3A_815 : i32 to vector<16xi32>
      %add3A_1096 = arith.addi %add3A_1094, %add3A_1095 : vector<16xi32>
      %swap3A_1097 = arith.index_cast %add3A_817 : i32 to index
      %swap3A_1098 = arith.constant 80 : index
      %swap3A_1099 = tpu.vector_load %arg6[%swap3A_1097, %swap3A_1098] {strides = array<i32>} : memref<300x128xi32, #tpu.memory_space<vmem>>, vector<16xi32>,
      tpu.vector_store %arg6[%swap3A_1097, %swap3A_1098], %add3A_1096 {strides = array<i32>} : memref<300x128xi32, #tpu.memory_space<vmem>>, vector<16xi32>,
      %gather3A_1100 = tpu.vector_load_idx %arg5[%add3A_38, %add3A_58] : memref<128x128xf32, #tpu.memory_space<vmem>>[vector<16xi32>, vector<16xi32>], vector<16xf32>,
      %div3A_1101 = arith.constant 1.000000e+00 : f32
      %div3A_1102 = arith.constant 1.023000e+03 : f32
      %div3A_1103 = arith.divf %div3A_1101, %div3A_1102 : f32
      %mul3A_1104 = arith.constant 1.023000e+03 : f32
      %mul3A_1105 = vector.broadcast %mul3A_1104 : f32 to vector<16xf32>
      %mul3A_1106 = arith.mulf %gather3A_1100, %mul3A_1105 : vector<16xf32>
      %convert_element_type3A_1107 = arith.fptosi %mul3A_1106 : vector<16xf32> to vector<16xi32>
      %convert_element_type3A_1108 = arith.sitofp %convert_element_type3A_1107 : vector<16xi32> to vector<16xf32>
      %gt3A_1109 = arith.cmpf ogt, %mul3A_1106, %convert_element_type3A_1108 : vector<16xf32>
      %select_n3A_1110 = arith.select %gt3A_1109, %broadcast_in_dim3A_15, %broadcast_in_dim3A_17 : vector<16xi1>, vector<16xi32>
      %add3A_1111 = arith.addi %convert_element_type3A_1107, %select_n3A_1110 : vector<16xi32>
      %min3A_1112 = arith.constant 1023 : i32
      %min3A_1113 = vector.broadcast %min3A_1112 : i32 to vector<16xi32>
      %min3A_1114 = arith.minsi %add3A_1111, %min3A_1113 : vector<16xi32>
      %sub3A_1115 = arith.constant 1 : i32
      %sub3A_1116 = vector.broadcast %sub3A_1115 : i32 to vector<16xi32>
      %sub3A_1117 = arith.subi %min3A_1114, %sub3A_1116 : vector<16xi32>
      %lt3A_1118 = arith.constant 0 : i32
      %lt3A_1119 = vector.broadcast %lt3A_1118 : i32 to vector<16xi32>
      %lt3A_1120 = arith.cmpi slt, %sub3A_1117, %lt3A_1119 : vector<16xi32>
      %convert_element_type3A_1121 = arith.sitofp %sub3A_1117 : vector<16xi32> to vector<16xf32>
      %mul3A_1122 = vector.broadcast %div3A_1103 : f32 to vector<16xf32>
      %mul3A_1123 = arith.mulf %convert_element_type3A_1121, %mul3A_1122 : vector<16xf32>
      %jit3A_1124 = arith.constant -1.000000e+00 : f32
      %broadcast_in_dim3A_1125 = vector.broadcast %jit3A_1124 : f32 to vector<16xf32>
      %select_n3A_1126 = arith.select %lt3A_1120, %broadcast_in_dim3A_1125, %mul3A_1123 : vector<16xi1>, vector<16xf32>
      %eq3A_1127 = arith.constant 1023 : i32
      %eq3A_1128 = vector.broadcast %eq3A_1127 : i32 to vector<16xi32>
      %eq3A_1129 = arith.cmpi eq, %min3A_1114, %eq3A_1128 : vector<16xi32>
      %convert_element_type3A_1130 = arith.sitofp %min3A_1114 : vector<16xi32> to vector<16xf32>
      %mul3A_1131 = vector.broadcast %div3A_1103 : f32 to vector<16xf32>
      %mul3A_1132 = arith.mulf %convert_element_type3A_1130, %mul3A_1131 : vector<16xf32>
      %jit3A_1133 = arith.constant 1.000000e+00 : f32
      %broadcast_in_dim3A_1134 = vector.broadcast %jit3A_1133 : f32 to vector<16xf32>
      %select_n3A_1135 = arith.select %eq3A_1129, %broadcast_in_dim3A_1134, %mul3A_1132 : vector<16xi1>, vector<16xf32>
      %lt3A_1136 = arith.cmpf olt, %select_n3A_1126, %gather3A_1100 : vector<16xf32>
      %select_n3A_1137 = arith.select %lt3A_1136, %broadcast_in_dim3A_15, %broadcast_in_dim3A_17 : vector<16xi1>, vector<16xi32>
      %add3A_1138 = arith.addi %sub3A_1117, %select_n3A_1137 : vector<16xi32>
      %lt3A_1139 = arith.cmpf olt, %select_n3A_1135, %gather3A_1100 : vector<16xf32>
      %select_n3A_1140 = arith.select %lt3A_1139, %broadcast_in_dim3A_15, %broadcast_in_dim3A_17 : vector<16xi1>, vector<16xi32>
      %add3A_1141 = arith.addi %add3A_1138, %select_n3A_1140 : vector<16xi32>
      %add3A_1142 = vector.broadcast %add3A_815 : i32 to vector<16xi32>
      %add3A_1143 = arith.addi %add3A_1141, %add3A_1142 : vector<16xi32>
      %swap3A_1144 = arith.index_cast %add3A_817 : i32 to index
      %swap3A_1145 = arith.constant 96 : index
      %swap3A_1146 = tpu.vector_load %arg6[%swap3A_1144, %swap3A_1145] {strides = array<i32>} : memref<300x128xi32, #tpu.memory_space<vmem>>, vector<16xi32>,
      tpu.vector_store %arg6[%swap3A_1144, %swap3A_1145], %add3A_1143 {strides = array<i32>} : memref<300x128xi32, #tpu.memory_space<vmem>>, vector<16xi32>,
      %gather3A_1147 = tpu.vector_load_idx %arg5[%add3A_41, %add3A_58] : memref<128x128xf32, #tpu.memory_space<vmem>>[vector<16xi32>, vector<16xi32>], vector<16xf32>,
      %div3A_1148 = arith.constant 1.000000e+00 : f32
      %div3A_1149 = arith.constant 1.023000e+03 : f32
      %div3A_1150 = arith.divf %div3A_1148, %div3A_1149 : f32
      %mul3A_1151 = arith.constant 1.023000e+03 : f32
      %mul3A_1152 = vector.broadcast %mul3A_1151 : f32 to vector<16xf32>
      %mul3A_1153 = arith.mulf %gather3A_1147, %mul3A_1152 : vector<16xf32>
      %convert_element_type3A_1154 = arith.fptosi %mul3A_1153 : vector<16xf32> to vector<16xi32>
      %convert_element_type3A_1155 = arith.sitofp %convert_element_type3A_1154 : vector<16xi32> to vector<16xf32>
      %gt3A_1156 = arith.cmpf ogt, %mul3A_1153, %convert_element_type3A_1155 : vector<16xf32>
      %select_n3A_1157 = arith.select %gt3A_1156, %broadcast_in_dim3A_15, %broadcast_in_dim3A_17 : vector<16xi1>, vector<16xi32>
      %add3A_1158 = arith.addi %convert_element_type3A_1154, %select_n3A_1157 : vector<16xi32>
      %min3A_1159 = arith.constant 1023 : i32
      %min3A_1160 = vector.broadcast %min3A_1159 : i32 to vector<16xi32>
      %min3A_1161 = arith.minsi %add3A_1158, %min3A_1160 : vector<16xi32>
      %sub3A_1162 = arith.constant 1 : i32
      %sub3A_1163 = vector.broadcast %sub3A_1162 : i32 to vector<16xi32>
      %sub3A_1164 = arith.subi %min3A_1161, %sub3A_1163 : vector<16xi32>
      %lt3A_1165 = arith.constant 0 : i32
      %lt3A_1166 = vector.broadcast %lt3A_1165 : i32 to vector<16xi32>
      %lt3A_1167 = arith.cmpi slt, %sub3A_1164, %lt3A_1166 : vector<16xi32>
      %convert_element_type3A_1168 = arith.sitofp %sub3A_1164 : vector<16xi32> to vector<16xf32>
      %mul3A_1169 = vector.broadcast %div3A_1150 : f32 to vector<16xf32>
      %mul3A_1170 = arith.mulf %convert_element_type3A_1168, %mul3A_1169 : vector<16xf32>
      %jit3A_1171 = arith.constant -1.000000e+00 : f32
      %broadcast_in_dim3A_1172 = vector.broadcast %jit3A_1171 : f32 to vector<16xf32>
      %select_n3A_1173 = arith.select %lt3A_1167, %broadcast_in_dim3A_1172, %mul3A_1170 : vector<16xi1>, vector<16xf32>
      %eq3A_1174 = arith.constant 1023 : i32
      %eq3A_1175 = vector.broadcast %eq3A_1174 : i32 to vector<16xi32>
      %eq3A_1176 = arith.cmpi eq, %min3A_1161, %eq3A_1175 : vector<16xi32>
      %convert_element_type3A_1177 = arith.sitofp %min3A_1161 : vector<16xi32> to vector<16xf32>
      %mul3A_1178 = vector.broadcast %div3A_1150 : f32 to vector<16xf32>
      %mul3A_1179 = arith.mulf %convert_element_type3A_1177, %mul3A_1178 : vector<16xf32>
      %jit3A_1180 = arith.constant 1.000000e+00 : f32
      %broadcast_in_dim3A_1181 = vector.broadcast %jit3A_1180 : f32 to vector<16xf32>
      %select_n3A_1182 = arith.select %eq3A_1176, %broadcast_in_dim3A_1181, %mul3A_1179 : vector<16xi1>, vector<16xf32>
      %lt3A_1183 = arith.cmpf olt, %select_n3A_1173, %gather3A_1147 : vector<16xf32>
      %select_n3A_1184 = arith.select %lt3A_1183, %broadcast_in_dim3A_15, %broadcast_in_dim3A_17 : vector<16xi1>, vector<16xi32>
      %add3A_1185 = arith.addi %sub3A_1164, %select_n3A_1184 : vector<16xi32>
      %lt3A_1186 = arith.cmpf olt, %select_n3A_1182, %gather3A_1147 : vector<16xf32>
      %select_n3A_1187 = arith.select %lt3A_1186, %broadcast_in_dim3A_15, %broadcast_in_dim3A_17 : vector<16xi1>, vector<16xi32>
      %add3A_1188 = arith.addi %add3A_1185, %select_n3A_1187 : vector<16xi32>
      %add3A_1189 = vector.broadcast %add3A_815 : i32 to vector<16xi32>
      %add3A_1190 = arith.addi %add3A_1188, %add3A_1189 : vector<16xi32>
      %swap3A_1191 = arith.index_cast %add3A_817 : i32 to index
      %swap3A_1192 = arith.constant 112 : index
      %swap3A_1193 = tpu.vector_load %arg6[%swap3A_1191, %swap3A_1192] {strides = array<i32>} : memref<300x128xi32, #tpu.memory_space<vmem>>, vector<16xi32>,
      tpu.vector_store %arg6[%swap3A_1191, %swap3A_1192], %add3A_1190 {strides = array<i32>} : memref<300x128xi32, #tpu.memory_space<vmem>>, vector<16xi32>,
      %ge3A = arith.constant 8 : i32
      %ge3A_1194 = arith.cmpi sge, %add3A_56, %ge3A : i32
      %convert_element_type3A_1195 = arith.extui %ge3A_1194 : i1 to i32
      %cond3A = arith.constant 0 : i32
      %cond3A_1196 = arith.cmpi ne, %convert_element_type3A_1195, %cond3A : i32
      scf.if %cond3A_1196 {
        %dma_wait3A_1221 = arith.constant 0 : i32
        %dma_wait3A_1222 = arith.constant 0 : i32
        %dma_wait3A_1223 = tpu.memref_slice %arg6[%dma_wait3A_1221, %dma_wait3A_1222] : memref<300x128xi32, #tpu.memory_space<vmem>> -> memref<1x128xi32, #tpu.memory_space<vmem>>
        %dma_wait3A_1224 = tpu.memref_squeeze %dma_wait3A_1223 : memref<1x128xi32, #tpu.memory_space<vmem>> -> memref<128xi32, #tpu.memory_space<vmem>>
        %dma_wait3A_1225 = arith.constant 0 : i32
        %dma_wait3A_1226 = arith.constant 0 : i32
        %dma_wait3A_1227 = tpu.memref_slice %arg3[%dma_wait3A_1225, %dma_wait3A_1226] : memref<136400x64xf32, #tpu.memory_space<hbm>> -> memref<136400x64xf32, #tpu.memory_space<hbm>>
        tpu.wait_indirect_dma semaphore(%arg9 : memref<!tpu.dma_semaphore, #tpu.memory_space<semaphore_mem>>) src(%dma_wait3A_1227 : memref<136400x64xf32, #tpu.memory_space<hbm>>) dst(%arg7 : memref<128x64xf32, #tpu.memory_space<vmem>>)
        %dma_wait3A_1228 = arith.constant 0 : i32
        %dma_wait3A_1229 = arith.constant 0 : i32
        %dma_wait3A_1230 = tpu.memref_slice %arg6[%dma_wait3A_1228, %dma_wait3A_1229] : memref<300x128xi32, #tpu.memory_space<vmem>> -> memref<1x128xi32, #tpu.memory_space<vmem>>
        %dma_wait3A_1231 = tpu.memref_squeeze %dma_wait3A_1230 : memref<1x128xi32, #tpu.memory_space<vmem>> -> memref<128xi32, #tpu.memory_space<vmem>>
        %dma_wait3A_1232 = arith.constant 0 : i32
        %dma_wait3A_1233 = arith.constant 0 : i32
        %dma_wait3A_1234 = tpu.memref_slice %arg3[%dma_wait3A_1232, %dma_wait3A_1233] : memref<136400x64xf32, #tpu.memory_space<hbm>> -> memref<136400x64xf32, #tpu.memory_space<hbm>>
        tpu.wait_indirect_dma semaphore(%arg9 : memref<!tpu.dma_semaphore, #tpu.memory_space<semaphore_mem>>) src(%dma_wait3A_1234 : memref<136400x64xf32, #tpu.memory_space<hbm>>) dst(%arg7 : memref<128x64xf32, #tpu.memory_space<vmem>>)
        %dma_wait3A_1235 = arith.constant 0 : i32
        %dma_wait3A_1236 = arith.constant 0 : i32
        %dma_wait3A_1237 = tpu.memref_slice %arg6[%dma_wait3A_1235, %dma_wait3A_1236] : memref<300x128xi32, #tpu.memory_space<vmem>> -> memref<1x128xi32, #tpu.memory_space<vmem>>
        %dma_wait3A_1238 = tpu.memref_squeeze %dma_wait3A_1237 : memref<1x128xi32, #tpu.memory_space<vmem>> -> memref<128xi32, #tpu.memory_space<vmem>>
        %dma_wait3A_1239 = arith.constant 0 : i32
        %dma_wait3A_1240 = arith.constant 0 : i32
        %dma_wait3A_1241 = tpu.memref_slice %arg3[%dma_wait3A_1239, %dma_wait3A_1240] : memref<136400x64xf32, #tpu.memory_space<hbm>> -> memref<136400x64xf32, #tpu.memory_space<hbm>>
        tpu.wait_indirect_dma semaphore(%arg9 : memref<!tpu.dma_semaphore, #tpu.memory_space<semaphore_mem>>) src(%dma_wait3A_1241 : memref<136400x64xf32, #tpu.memory_space<hbm>>) dst(%arg7 : memref<128x64xf32, #tpu.memory_space<vmem>>)
      } else {
      }
      %add3A_1197 = arith.constant 0 : i32
      %add3A_1198 = arith.addi %add3A_1197, %add3A_56 : i32
      %dma_start3A_1199 = arith.constant 0 : i32
      %dma_start3A_1200 = tpu.memref_slice %arg6[%add3A_1198, %dma_start3A_1199] : memref<300x128xi32, #tpu.memory_space<vmem>> -> memref<1x128xi32, #tpu.memory_space<vmem>>
      %dma_start3A_1201 = tpu.memref_squeeze %dma_start3A_1200 : memref<1x128xi32, #tpu.memory_space<vmem>> -> memref<128xi32, #tpu.memory_space<vmem>>
      %dma_start3A_1202 = arith.constant 0 : i32
      %dma_start3A_1203 = arith.constant 0 : i32
      %dma_start3A_1204 = tpu.memref_slice %arg3[%dma_start3A_1202, %dma_start3A_1203] : memref<136400x64xf32, #tpu.memory_space<hbm>> -> memref<136400x64xf32, #tpu.memory_space<hbm>>
      tpu.enqueue_indirect_dma source(%dma_start3A_1204 : memref<136400x64xf32, #tpu.memory_space<hbm>>) target(%arg7 : memref<128x64xf32, #tpu.memory_space<vmem>>) offsets(%dma_start3A_1201 : memref<128xi32, #tpu.memory_space<vmem>>) semaphore(%arg9 : memref<!tpu.dma_semaphore, #tpu.memory_space<semaphore_mem>>) {add = true}
      %add3A_1205 = arith.constant 100 : i32
      %add3A_1206 = arith.addi %add3A_1205, %add3A_56 : i32
      %dma_start3A_1207 = arith.constant 0 : i32
      %dma_start3A_1208 = tpu.memref_slice %arg6[%add3A_1206, %dma_start3A_1207] : memref<300x128xi32, #tpu.memory_space<vmem>> -> memref<1x128xi32, #tpu.memory_space<vmem>>
      %dma_start3A_1209 = tpu.memref_squeeze %dma_start3A_1208 : memref<1x128xi32, #tpu.memory_space<vmem>> -> memref<128xi32, #tpu.memory_space<vmem>>
      %dma_start3A_1210 = arith.constant 0 : i32
      %dma_start3A_1211 = arith.constant 0 : i32
      %dma_start3A_1212 = tpu.memref_slice %arg3[%dma_start3A_1210, %dma_start3A_1211] : memref<136400x64xf32, #tpu.memory_space<hbm>> -> memref<136400x64xf32, #tpu.memory_space<hbm>>
      tpu.enqueue_indirect_dma source(%dma_start3A_1212 : memref<136400x64xf32, #tpu.memory_space<hbm>>) target(%arg7 : memref<128x64xf32, #tpu.memory_space<vmem>>) offsets(%dma_start3A_1209 : memref<128xi32, #tpu.memory_space<vmem>>) semaphore(%arg9 : memref<!tpu.dma_semaphore, #tpu.memory_space<semaphore_mem>>) {add = true}
      %add3A_1213 = arith.constant 200 : i32
      %add3A_1214 = arith.addi %add3A_1213, %add3A_56 : i32
      %dma_start3A_1215 = arith.constant 0 : i32
      %dma_start3A_1216 = tpu.memref_slice %arg6[%add3A_1214, %dma_start3A_1215] : memref<300x128xi32, #tpu.memory_space<vmem>> -> memref<1x128xi32, #tpu.memory_space<vmem>>
      %dma_start3A_1217 = tpu.memref_squeeze %dma_start3A_1216 : memref<1x128xi32, #tpu.memory_space<vmem>> -> memref<128xi32, #tpu.memory_space<vmem>>
      %dma_start3A_1218 = arith.constant 0 : i32
      %dma_start3A_1219 = arith.constant 0 : i32
      %dma_start3A_1220 = tpu.memref_slice %arg3[%dma_start3A_1218, %dma_start3A_1219] : memref<136400x64xf32, #tpu.memory_space<hbm>> -> memref<136400x64xf32, #tpu.memory_space<hbm>>
      tpu.enqueue_indirect_dma source(%dma_start3A_1220 : memref<136400x64xf32, #tpu.memory_space<hbm>>) target(%arg7 : memref<128x64xf32, #tpu.memory_space<vmem>>) offsets(%dma_start3A_1217 : memref<128xi32, #tpu.memory_space<vmem>>) semaphore(%arg9 : memref<!tpu.dma_semaphore, #tpu.memory_space<semaphore_mem>>) {add = true}
    }
    %scan3A_46 = arith.constant 100 : i32
    %scan3A_47 = arith.constant 0 : i32
    %scan3A_48 = arith.constant 24 : i32
    %scan3A_49 = arith.addi %scan3A_47, %scan3A_48 : i32
    %scan3A_50 = arith.constant 1 : i32
    scf.for %scan3A_52 = %scan3A_47 to %scan3A_49 step %scan3A_50  : i32 {
      %mul3A_53 = arith.constant 1 : i32
      %mul3A_54 = arith.muli %scan3A_52, %mul3A_53 : i32
      %add3A_55 = arith.constant 0 : i32
      %add3A_56 = arith.addi %add3A_55, %mul3A_54 : i32
      %dma_wait3A_57 = arith.constant 0 : i32
      %dma_wait3A_58 = arith.constant 0 : i32
      %dma_wait3A_59 = tpu.memref_slice %arg6[%dma_wait3A_57, %dma_wait3A_58] : memref<300x128xi32, #tpu.memory_space<vmem>> -> memref<1x128xi32, #tpu.memory_space<vmem>>
      %dma_wait3A_60 = tpu.memref_squeeze %dma_wait3A_59 : memref<1x128xi32, #tpu.memory_space<vmem>> -> memref<128xi32, #tpu.memory_space<vmem>>
      %dma_wait3A_61 = arith.constant 0 : i32
      %dma_wait3A_62 = arith.constant 0 : i32
      %dma_wait3A_63 = tpu.memref_slice %arg3[%dma_wait3A_61, %dma_wait3A_62] : memref<136400x64xf32, #tpu.memory_space<hbm>> -> memref<136400x64xf32, #tpu.memory_space<hbm>>
      tpu.wait_indirect_dma semaphore(%arg9 : memref<!tpu.dma_semaphore, #tpu.memory_space<semaphore_mem>>) src(%dma_wait3A_63 : memref<136400x64xf32, #tpu.memory_space<hbm>>) dst(%arg7 : memref<128x64xf32, #tpu.memory_space<vmem>>)
    }
    %scan3A_51 = arith.constant 24 : i32
    "tpu.region"() ({
      %run_scoped3A = tpu.sem_alloc : memref<!tpu.dma_semaphore, #tpu.memory_space<semaphore_mem>>
      %dma_start3A_52 = arith.constant 0 : i32
      %dma_start3A_53 = tpu.memref_slice %arg4[%mul3A_2, %dma_start3A_52] : memref<4096x64xf32, #tpu.memory_space<hbm>> -> memref<128x64xf32, #tpu.memory_space<hbm>>
      %dma_start3A_54 = arith.constant 0 : i32
      %dma_start3A_55 = tpu.memref_slice %arg4[%mul3A_2, %dma_start3A_54] : memref<4096x64xf32, #tpu.memory_space<hbm>> -> memref<128x64xf32, #tpu.memory_space<hbm>>
      tpu.enqueue_dma source(%arg7 : memref<128x64xf32, #tpu.memory_space<vmem>>) target(%dma_start3A_55 : memref<128x64xf32, #tpu.memory_space<hbm>>) target_semaphore(%run_scoped3A : memref<!tpu.dma_semaphore, #tpu.memory_space<semaphore_mem>>)
      %dma_wait3A_56 = arith.constant 0 : i32
      %dma_wait3A_57 = tpu.memref_slice %arg4[%mul3A_2, %dma_wait3A_56] : memref<4096x64xf32, #tpu.memory_space<hbm>> -> memref<128x64xf32, #tpu.memory_space<hbm>>
      %dma_wait3A_58 = arith.constant 0 : i32
      %dma_wait3A_59 = tpu.memref_slice %arg4[%mul3A_2, %dma_wait3A_58] : memref<4096x64xf32, #tpu.memory_space<hbm>> -> memref<128x64xf32, #tpu.memory_space<hbm>>
      tpu.wait_dma2 semaphore(%run_scoped3A : memref<!tpu.dma_semaphore, #tpu.memory_space<semaphore_mem>>) src(%arg7 : memref<128x64xf32, #tpu.memory_space<vmem>>) dst(%dma_wait3A_59 : memref<128x64xf32, #tpu.memory_space<hbm>>)
      tpu.yield
    }) : () -> ()
    return
  }
}

module attributes {stable_mosaic.version = 14 : i64} {
  func.func @_tc_body(%arg0: i32, %arg1: memref<128x100xf32, #tpu.memory_space<vmem>>, %arg2: memref<100x32x64xbf16, #tpu.memory_space<vmem>>, %arg3: memref<128x64xf32, #tpu.memory_space<vmem>>) attributes {dimension_semantics = [#tpu.dimension_semantics<arbitrary>], iteration_bounds = array<i64: 32>, scalar_prefetch = 0 : i64, scratch_operands = 0 : i64, tpu.core_type = #tpu.core_type<tc>, window_params = [{transform_indices = @transform_0, window_bounds = array<i64: 128, 100>}, {pipeline_mode = #tpu.pipeline_mode<synchronous>, transform_indices = @transform_1, window_bounds = array<i64: 100, 32, 64>}, {transform_indices = @transform_2, window_bounds = array<i64: 128, 64>}]} {
    %get3A = arith.constant 0 : index
    %get3A_0 = arith.constant 0 : index
    %get3A_1 = vector.load %arg1[%get3A, %get3A_0] : memref<128x100xf32, #tpu.memory_space<vmem>>, vector<128x100xf32>
    %broadcast_in_dim3A = arith.constant 1 : i32
    %broadcast_in_dim3A_2 = vector.broadcast %broadcast_in_dim3A : i32 to vector<128x100xi32>
    %broadcast_in_dim3A_3 = arith.constant 0 : i32
    %broadcast_in_dim3A_4 = vector.broadcast %broadcast_in_dim3A_3 : i32 to vector<128x100xi32>
    %broadcast_in_dim3A_5 = arith.constant 0.000000e+00 : f32
    %broadcast_in_dim3A_6 = vector.broadcast %broadcast_in_dim3A_5 : f32 to vector<128x64xf32>
    %iota3A = tpu.iota {dimensions = array<i32: 2>} : vector<1x1x32xi32>
    %div3A = arith.constant 1.000000e+00 : f32
    %div3A_7 = arith.constant 1.500000e+01 : f32
    %div3A_8 = arith.divf %div3A, %div3A_7 : f32
    %mul3A = arith.constant 1.500000e+01 : f32
    %mul3A_9 = vector.broadcast %mul3A : f32 to vector<128x100xf32>
    %mul3A_10 = arith.mulf %get3A_1, %mul3A_9 : vector<128x100xf32>
    %convert_element_type3A = arith.fptosi %mul3A_10 : vector<128x100xf32> to vector<128x100xi32>
    %convert_element_type3A_11 = arith.sitofp %convert_element_type3A : vector<128x100xi32> to vector<128x100xf32>
    %gt3A = arith.cmpf ogt, %mul3A_10, %convert_element_type3A_11 : vector<128x100xf32>
    %select_n3A = arith.select %gt3A, %broadcast_in_dim3A_2, %broadcast_in_dim3A_4 : vector<128x100xi1>, vector<128x100xi32>
    %add3A = arith.addi %convert_element_type3A, %select_n3A : vector<128x100xi32>
    %min3A = arith.constant 15 : i32
    %min3A_12 = vector.broadcast %min3A : i32 to vector<128x100xi32>
    %min3A_13 = arith.minsi %add3A, %min3A_12 : vector<128x100xi32>
    %sub3A = arith.constant 1 : i32
    %sub3A_14 = vector.broadcast %sub3A : i32 to vector<128x100xi32>
    %sub3A_15 = arith.subi %min3A_13, %sub3A_14 : vector<128x100xi32>
    %lt3A = arith.constant 0 : i32
    %lt3A_16 = vector.broadcast %lt3A : i32 to vector<128x100xi32>
    %lt3A_17 = arith.cmpi slt, %sub3A_15, %lt3A_16 : vector<128x100xi32>
    %convert_element_type3A_18 = arith.sitofp %sub3A_15 : vector<128x100xi32> to vector<128x100xf32>
    %mul3A_19 = vector.broadcast %div3A_8 : f32 to vector<128x100xf32>
    %mul3A_20 = arith.mulf %convert_element_type3A_18, %mul3A_19 : vector<128x100xf32>
    %jit3A = arith.constant -1.000000e+00 : f32
    %broadcast_in_dim3A_21 = vector.broadcast %jit3A : f32 to vector<128x100xf32>
    %select_n3A_22 = arith.select %lt3A_17, %broadcast_in_dim3A_21, %mul3A_20 : vector<128x100xi1>, vector<128x100xf32>
    %eq3A = arith.constant 15 : i32
    %eq3A_23 = vector.broadcast %eq3A : i32 to vector<128x100xi32>
    %eq3A_24 = arith.cmpi eq, %min3A_13, %eq3A_23 : vector<128x100xi32>
    %convert_element_type3A_25 = arith.sitofp %min3A_13 : vector<128x100xi32> to vector<128x100xf32>
    %mul3A_26 = vector.broadcast %div3A_8 : f32 to vector<128x100xf32>
    %mul3A_27 = arith.mulf %convert_element_type3A_25, %mul3A_26 : vector<128x100xf32>
    %jit3A_28 = arith.constant 1.000000e+00 : f32
    %broadcast_in_dim3A_29 = vector.broadcast %jit3A_28 : f32 to vector<128x100xf32>
    %select_n3A_30 = arith.select %eq3A_24, %broadcast_in_dim3A_29, %mul3A_27 : vector<128x100xi1>, vector<128x100xf32>
    %lt3A_31 = arith.cmpf olt, %select_n3A_22, %get3A_1 : vector<128x100xf32>
    %select_n3A_32 = arith.select %lt3A_31, %broadcast_in_dim3A_2, %broadcast_in_dim3A_4 : vector<128x100xi1>, vector<128x100xi32>
    %add3A_33 = arith.addi %sub3A_15, %select_n3A_32 : vector<128x100xi32>
    %lt3A_34 = arith.cmpf olt, %select_n3A_30, %get3A_1 : vector<128x100xf32>
    %select_n3A_35 = arith.select %lt3A_34, %broadcast_in_dim3A_2, %broadcast_in_dim3A_4 : vector<128x100xi1>, vector<128x100xi32>
    %add3A_36 = arith.addi %add3A_33, %select_n3A_35 : vector<128x100xi32>
    %broadcast_in_dim3A_37 = vector.shape_cast %add3A_36 : vector<128x100xi32> to vector<128x100x1xi32>
    %eq3A_38 = vector.broadcast %broadcast_in_dim3A_37 : vector<128x100x1xi32> to vector<128x100x32xi32>
    %eq3A_39 = vector.broadcast %iota3A : vector<1x1x32xi32> to vector<128x100x32xi32>
    %eq3A_40 = arith.cmpi eq, %eq3A_38, %eq3A_39 : vector<128x100x32xi32>
    %jit3A_41 = arith.constant 1.000000e+00 : f32
    %jit3A_42 = arith.constant 0.000000e+00 : f32
    %broadcast_in_dim3A_43 = vector.broadcast %jit3A_41 : f32 to vector<128x100x32xf32>
    %broadcast_in_dim3A_44 = vector.broadcast %jit3A_42 : f32 to vector<128x100x32xf32>
    %select_n3A_45 = arith.select %eq3A_40, %broadcast_in_dim3A_43, %broadcast_in_dim3A_44 : vector<128x100x32xi1>, vector<128x100x32xf32>
    %convert_element_type3A_46 = arith.truncf %select_n3A_45 : vector<128x100x32xf32> to vector<128x100x32xbf16>
    %reshape3A = vector.shape_cast %convert_element_type3A_46 : vector<128x100x32xbf16> to vector<128x3200xbf16>
    %get3A_47 = arith.constant 0 : index
    %get3A_48 = arith.constant 0 : index
    %get3A_49 = arith.constant 0 : index
    %get3A_50 = vector.load %arg2[%get3A_47, %get3A_48, %get3A_49] : memref<100x32x64xbf16, #tpu.memory_space<vmem>>, vector<100x32x64xbf16>
    %reshape3A_51 = vector.shape_cast %get3A_50 : vector<100x32x64xbf16> to vector<3200x64xbf16>
    %dot_general3A = arith.constant dense<0.000000e+00> : vector<128x64xf32>
    %dot_general3A_52 = tpu.matmul %reshape3A, %reshape3A_51, %dot_general3A {dimension_numbers = #tpu.dot_dimension_numbers<[1], [0], [0], [1], [0, 0, 1, 1], [], []>, transpose_lhs_hint = false} : vector<128x3200xbf16>, vector<3200x64xbf16>, vector<128x64xf32> -> vector<128x64xf32>
    %add3A_53 = arith.addf %broadcast_in_dim3A_6, %dot_general3A_52 : vector<128x64xf32>
    %swap3A = arith.constant 0 : index
    %swap3A_54 = arith.constant 0 : index
    %swap3A_55 = vector.load %arg3[%swap3A, %swap3A_54] : memref<128x64xf32, #tpu.memory_space<vmem>>, vector<128x64xf32>
    tpu.vector_store %arg3[%swap3A, %swap3A_54], %add3A_53 {strides = array<i32>} : memref<128x64xf32, #tpu.memory_space<vmem>>, vector<128x64xf32>,
    return
  }
  func.func @transform_0(%arg0: i32) -> (i32, i32) {
    %c0_i32 = arith.constant 0 : i32
    %c0_i32_0 = arith.constant 0 : i32
    return %arg0, %c0_i32 : i32, i32
  }
  func.func @transform_1(%arg0: i32) -> (i32, i32, i32) {
    %c0_i32 = arith.constant 0 : i32
    %c0_i32_0 = arith.constant 0 : i32
    %c0_i32_1 = arith.constant 0 : i32
    %c0_i32_2 = arith.constant 0 : i32
    return %c0_i32, %c0_i32_0, %c0_i32_1 : i32, i32, i32
  }
  func.func @transform_2(%arg0: i32) -> (i32, i32) {
    %c0_i32 = arith.constant 0 : i32
    %c0_i32_0 = arith.constant 0 : i32
    return %arg0, %c0_i32 : i32, i32
  }
}

</mosaic_0001>

<sc_bundles>
// kernel: kernel.4.cloned.1.call-start
scs
__scs_entry_jumppad:
0x0: {  	(pc) =	sbr.rel $0x88, $3  }
0x1: {  	(tag) =	ssettag $0x0;
	lr =	simm.s32 $0x1  }
0x2: {  	[smem:$0x3F9F] =	sst lr;
	_ =	strace $0xD0000000  }
0x3: {  	_ = 	snop  }
0x4: {  	_ = 	snop  }
0x5: {  	_ = 	snop  }
0x6: {  	_ = 	snop  }
0x7: {  	_ = 	snop  }
__scs_overlays_trampoline_lowered:
0x8: {  	[smem:$0x3FAE] =	sst s0  }
0x9: {  	[smem:$0x3FAF] =	sst s1  }
0xa: {  	[smem:$0x3FB0] =	sst s2  }
0xb: {  	[smem:$0x3FB1] =	sst s3  }
0xc: {  	[smem:$0x3FB2] =	sst s4  }
0xd: {  	[smem:$0x3FB3] =	sst s5  }
0xe: {  	[smem:$0x3FB4] =	sst s6  }
0xf: {  	[smem:$0x3FB5] =	sst s7  }
0x10: {  	[smem:$0x3FB6] =	sst s8  }
0x11: {  	[smem:$0x3FB7] =	sst s9;
	s0 =	simm.s32 @!p0 $0x0  }
0x12: {  	s1 =	sld [smem:$0x3F9D];
	s0 =	simm.s32 @p0 $0x1  }
0x13: {  	[smem:$0x3FB8] =	sst s0;
	s0 =	simm.s32 @!p1 $0x0  }
0x14: {  	s2 =	sld [smem:$0x3F9C];
	s0 =	simm.s32 @p1 $0x1  }
0x15: {  	[smem:$0x3FB9] =	sst s0;
	s0 =	simm.s32 @!p2 $0x0  }
0x16: {  	s3 =	sld [smem:$0x3FDB];
	s0 =	simm.s32 @p2 $0x1  }
0x17: {  	s4 =	simm.s32 $0x1BF5;
	[smem:$0x3FBB] =	sst s0  }
0x18: {  	s0 =	sld [smem:$0x3F9E];
	_ =	swait.ge [sflag:s4], $0x0  }
0x19: {  	s7 =	sld [smem:$0x3F9F]  }
0x1a: {  	s8 =	sadd.s32 $0xFFFFE003, lr  }
0x1b: {  	s9 =	sadd.s32 $0xFFFFFEF7, lr;
	s5 =	simm.s32 $0xFFFFFFFF;
	p2 =	slt.u32 s8, $0xFFFFF086  }
0x1c: {  	p1 =	slt.u32 s9, $0xF7A;
	s5 =	simm.s32 @!p2 $0x0  }
0x1d: {  	s5 =	simm.s32 @p1 $0x1;
	p0 =	seq.s32 s7, s2  }
0x1e: {  	s7 =	smul.u32 @!p0 $0xF7A, s2;
	p2 =	seq.s32 @!p0 s5, $0x0  }
0x1f: {  	s9 =	smul.u32 $0xF7A, s1;
	s8 =	simm.s32 @!p0 $0x1BF5;
	p2 =	por !p2, p0  }
0x20: {  	[sflag:s8] =	ssyncset.s32 @!p0 $0xFFFFF086;
	s6 =	sadd.s32 @!p0 s3, s7;
	s7 =	simm.s32 @!p0 $0x108  }
0x21: {  	s3 =	sadd.s32 s3, s9;
	s6 =	sadd.s32 @!p0 $0x88, s6;
	s7 =	simm.s32 @p2 $0x1082  }
0x22: {  	[simem:s7], [sflag:s8] =	dma.local @!p0 [hbm:s6], $0xF7A  }
0x23: {  	s9 =	sor.u32 $0xD0000000, s2;
	s6 =	simm.s32 $0x108;
	_ =	swait.ge @!p0 [sflag:s8], $0x0  }
0x24: {  	s3 =	sadd.s32 $0x88, s3;
	s6 =	simm.s32 @!p1 $0x1082;
	[sflag:s4] =	ssyncset.s32 $0xFFFFF086  }
0x25: {  	[simem:s6], [sflag:s4] =	dma.local [hbm:s3], $0xF7A  }
0x26: {  	[smem:$0x3F9F] =	sst s1;
	(tag) =	ssettag s2;
	_ =	strace s9  }
0x27: {  	s1 =	sld [smem:$0x3FAF]  }
0x28: {  	s2 =	sld [smem:$0x3FB0]  }
0x29: {  	s4 =	sld [smem:$0x3FB2]  }
0x2a: {  	p0 =	seq.s32 s5, $0x0;
	s5 =	sld [smem:$0x3FB3]  }
0x2b: {  	s6 =	sld [smem:$0x3FB4]  }
0x2c: {  	s7 =	sld [smem:$0x3FB5]  }
0x2d: {  	s3 =	simm.s32 $0x108;
	s8 =	sld [smem:$0x3FB6]  }
0x2e: {  	s3 =	simm.s32 @!p0 $0x1082;
	s9 =	sld [smem:$0x3FB7]  }
0x2f: {  	lr =	sadd.s32 s0, s3;
	s0 =	sld [smem:$0x3FAE]  }
0x30: {  	s3 =	sld [smem:$0x3FB1]  }
0x31: {  	[smem:$0x3FBA] =	sst s10  }
0x32: {  	s10 =	sld [smem:$0x3FB8];
	_ =	sdelay $0x3  }
0x33: {  	p0 =	seq.s32 s10, $0x1;
	s10 =	sld [smem:$0x3FBA];
	_ =	sdelay $0x3  }
0x34: {  	[smem:$0x3FBA] =	sst s10  }
0x35: {  	s10 =	sld [smem:$0x3FB9];
	_ =	sdelay $0x3  }
0x36: {  	p1 =	seq.s32 s10, $0x1;
	s10 =	sld [smem:$0x3FBA];
	_ =	sdelay $0x3  }
0x37: {  	[smem:$0x3FBA] =	sst s10  }
0x38: {  	s10 =	sld [smem:$0x3FBB]  }
0x39: {  	_ = 	snop;
	(pc) =	sbr.ind lr, $3  }
0x3a: {  	_ = 	snop  }
0x3b: {  	_ = 	snop  }
0x3c: {  	p2 =	seq.s32 s10, $0x1;
	s10 =	sld [smem:$0x3FBA]  }
0x3d: {  	_ =	shalt  }
0x3e: {  	_ =	shalt  }
0x3f: {  	_ =	shalt  }
0x40: {  	_ =	shalt  }
0x41: {  	_ =	shalt  }
0x42: {  	_ =	shalt  }
0x43: {  	_ =	shalt  }
0x44: {  	_ =	shalt  }
0x45: {  	_ =	shalt  }
0x46: {  	_ =	shalt  }
0x47: {  	_ =	shalt  }
0x48: {  	_ =	shalt  }
0x49: {  	_ =	shalt  }
0x4a: {  	_ =	shalt  }
0x4b: {  	_ =	shalt  }
0x4c: {  	_ =	shalt  }
0x4d: {  	_ =	shalt  }
0x4e: {  	_ =	shalt  }
0x4f: {  	_ =	shalt  }
0x50: {  	_ =	shalt  }
0x51: {  	_ =	shalt  }
0x52: {  	_ =	shalt  }
0x53: {  	_ =	shalt  }
0x54: {  	_ =	shalt  }
0x55: {  	_ =	shalt  }
0x56: {  	_ =	shalt  }
0x57: {  	_ =	shalt  }
0x58: {  	_ =	shalt  }
0x59: {  	_ =	shalt  }
0x5a: {  	_ =	shalt  }
0x5b: {  	_ =	shalt  }
0x5c: {  	_ =	shalt  }
0x5d: {  	_ =	shalt  }
0x5e: {  	_ =	shalt  }
0x5f: {  	_ =	shalt  }
0x60: {  	_ =	shalt  }
0x61: {  	_ =	shalt  }
0x62: {  	_ =	shalt  }
0x63: {  	_ =	shalt  }
0x64: {  	_ =	shalt  }
0x65: {  	_ =	shalt  }
0x66: {  	_ =	shalt  }
0x67: {  	_ =	shalt  }
0x68: {  	_ =	shalt  }
0x69: {  	_ =	shalt  }
0x6a: {  	_ =	shalt  }
0x6b: {  	_ =	shalt  }
0x6c: {  	_ =	shalt  }
0x6d: {  	_ =	shalt  }
0x6e: {  	_ =	shalt  }
0x6f: {  	_ =	shalt  }
0x70: {  	_ =	shalt  }
0x71: {  	_ =	shalt  }
0x72: {  	_ =	shalt  }
0x73: {  	_ =	shalt  }
0x74: {  	_ =	shalt  }
0x75: {  	_ =	shalt  }
0x76: {  	_ =	shalt  }
0x77: {  	_ =	shalt  }
0x78: {  	_ =	shalt  }
0x79: {  	_ =	shalt  }
0x7a: {  	_ =	shalt  }
0x7b: {  	_ =	shalt  }
0x7c: {  	_ =	shalt  }
0x7d: {  	_ =	shalt  }
0x7e: {  	_ =	shalt  }
0x7f: {  	_ =	shalt  }
0x80: {  	_ =	shalt  }
0x81: {  	_ =	shalt  }
0x82: {  	_ =	shalt  }
0x83: {  	_ =	shalt  }
0x84: {  	_ =	shalt  }
0x85: {  	_ =	shalt  }
0x86: {  	_ =	shalt  }
0x87: {  	_ =	shalt  }
.Lfunc_end0:
.L_simem_size_0:
called_computation_lowered:
.L_overlay_start_0:
0x88: {  	s2 =	sld [smem:$0x3FD9]  }
0x89: {  	s3 =	sld [smem:$0x3FFE];
	_ =	sdelay $0x1  }
0x8a: {  	s1 =	srdreg.scid  }
0x8b: {  	s0 =	sand.u32 $0x1, s1  }
0x8c: {  	s17 =	sshll.u32 s0, $0xA;
	s2 =	sadd.s32 s3, s2  }
0x8d: {  	s2 =	sadd.s32 s2, s17  }
0x8e: {  	[smem:$0x3FC6] =	sst s2  }
0x8f: {  	_ = 	snop  }
0x90: {  	s2 =	sld [smem:$0x3FD0];
	(tm) =	ssettm $0x1  }
0x91: {  	s18 =	sld [smem:$0x3FFB];
	_ =	sdelay $0x3  }
0x92: {  	_ =	strace s18  }
0x93: {  	s3 =	sld [smem:$0x3FFC];
	_ =	sdelay $0x3  }
0x94: {  	_ =	strace s3  }
0x95: {  	s3 =	sld [smem:$0x3FFD];
	_ =	sdelay $0x3  }
0x96: {  	_ =	strace s3  }
0x97: {  	_ =	strace $0x8FFFFFFF  }
0x98: {  	s19 =	sld [smem:$0x3FDB];
	_ =	sdelay $0x1  }
0x99: {  	s4 =	simm.s32 $_scs_section_size  }
0x9a: {  	s5 =	simm.s32 $_size__tile_overlayer_lowered;
	s6 =	simm.s32 $_tile_overlayer_lowered  }
0x9b: {  	s22 =	simm.s32 $0x1BFF;
	s21 =	sshll.u32 s6, $0x1;
	s3 =	sadd.s32 s4, s19  }
0x9c: {  	s7 =	simm.s32 $0x0;
	s20 =	sshll.u32 s5, $0x1;
	s5 =	sadd.s32 s21, s3  }
0x9d: {  	[timem:s7], [sflag:s22] =	dma.local [hbm:s5], s20  }
0x9e: {  	_ =	swait.ge [sflag:s22], s20  }
0x9f: {  	s4 =	ssub.s32 $0x0, s20;
	[sflag:s22] =	ssyncset.done $0x0  }
0xa0: {  	[sflag:s22] =	ssyncadd.s32 s4;
	_ =	sdelay $0x1  }
0xa1: {  	s23 =	simm.s32 $0x1B8B  }
0xa2: {  	_ =	swait.ge [sflag:s23], $0x1  }
0xa3: {  	[sflag:s23] =	ssyncset.done $0x0  }
0xa4: {  	s25 =	simm.s32 $0x1B8E;
	s24 =	sld [smem:$0x3FFE];
	[sflag:s23] =	ssyncadd.s32 $0xFFFFFFFF  }
0xa5: {  	s26 =	simm.s32 $execute0_lowered;
	[smem:$0x3FD2] =	sst s25  }
0xa6: {  	s5 =	sshll.u32 s26, $0x1;
	_ =	strace $0x80000046;
	[dreg:$0x1] =	wrdreg $0xFFFFFFFF  }
0xa7: {  	s28 =	simm.s32 $_size_execute0_lowered;
	s3 =	sadd.s32 s3, s5;
	[dreg:$0x0] =	wrdreg $0x0  }
0xa8: {  	s5 =	sshll.u32 s28, $0x1;
	[dreg:$0x2] =	wrdreg s3  }
0xa9: {  	[dreg:$0x3] =	wrdreg s5  }
0xaa: {  	[dreg:$0x4] =	wrdreg $0xC0  }
0xab: {  	_ =	task [dreg:s7], $0x5FFFF  }
0xac: {  	[dreg:$0x1] =	wrdreg $0xFFFFFFFF  }
0xad: {  	[dreg:$0x0] =	wrdreg $0x60  }
0xae: {  	[dreg:$0x2] =	wrdreg s24  }
0xaf: {  	[dreg:$0x3] =	wrdreg s2  }
0xb0: {  	[dreg:$0x4] =	wrdreg $0x9  }
0xb1: {  	_ =	task.clear_ibuf [dreg:s7], $0x5FFFF;
	_ =	strace $0x90000046  }
0xb2: {  	s29 =	simm.s32 $0x9;
	_ =	strace $0x80000048  }
0xb3: {  	_ =	swait.ge [sflag:s29], $0x1  }
0xb4: {  	[sflag:s29] =	ssyncadd.s32 $0xFFFFFFFF  }
0xb5: {  	_ =	strace $0x90000048  }
0xb6: {  	_ =	sfence  }
0xb7: {  	s30 =	sld [smem:$0x0];
	_ =	sdelay $0x2  }
0xb8: {  	s31 =	sshll.u32 s1, $0xD;
	s1 =	sshrl.u32 s1, $0x2  }
0xb9: {  	s3 =	sand.u32 $0x4000, s31;
	s1 =	sadd.s32 s1, s30  }
0xba: {  	s0 =	sor.u32 s3, s0;
	s1 =	sshll.u32 s1, $0x11  }
0xbb: {  	s0 =	sor.u32 s1, s0  }
0xbc: {  	s0 =	sadd.s32 $0x8F2B, s0  }
0xbd: {  	[sflag:s0] =	ssyncadd.remote.s32 $0x1  }
0xbe: {  	_ =	sfence.sel $0xFFFF  }
0xbf: {  	[dreg:$0x0] =	wrdreg $0xFFFFFFFF;
	(pc) =	sbr.abs _section_cstart, $3  }
0xc0: {  	[dreg:$0x1] =	wrdreg $0xFFFFFFFF  }
0xc1: {  	_ =	task.clear_ibuf [dreg:s7], $0x2FFFF;
	_ =	strace $0x9FFFFFFF  }
0xc2: {  	(tm) =	ssettm $0x7FFFFFFF  }
0xc3: {  	_ =	shalt  }
tec
execute0_lowered:
.L_overlay_start_1:
0x0: {  	(tag) =	ssettag $0x1  }
0x1: {  	s1 =	srdreg.scid;
	s3 =	rddreg [dreg:$0x0]  }
0x2: {  	s0 =	stileid.u32;
	s5 =	rddreg [dreg:$0x1]  }
0x3: {  	s2 =	simm.s32 $0x0;
	s9 =	simm.s32 $0xD600;
	s10 =	simm.s32 $0x2  }
0x4: {  	s11 =	simm.s32 $0x3;
	s12 =	simm.s32 $0x0;
	s4 =	sand.u32 $0x1, s1  }
0x5: {  	v0 =	vlaneseq.u32;
	s6 =	sshll.u32 s0, $0x8;
	s1 =	rddreg [dreg:$0x2];
	s7 =	sshll.u32 s4, $0x7  }
0x6: {  	[smem:$0x7FF] =	sst s2;
	v0 =	vmul.u32 $0x80, v0;
	s4 =	ssub.s32 $0x2, s4;
	s6 =	sor.u32 s7, s6  }
0x7: {  	_ =	strace $0x80000047;
	s8 =	sshrl.u32 s4, $0x1;
	s7 =	sshll.u32 s6, $0x4  }
0x8: {  	v1 =	vimm.f32 $0.0e+00;
	v2 =	vimm.s32 $0x0;
	v3 =	vor.u32 $0x800, v0;
	s8 =	ssub.s32 s4, s8;
	s6 =	sshll.u32 s6, $0x3;
	s7 =	sadd.s32 s7, s3  }
0x9: {  	v4 =	vor.u32 $0x1000, v0;
	v5 =	vor.u32 $0x1800, v0;
	v6 =	vor.u32 $0x2000, v0;
	s3 =	sadd.s32 $0x215200, s3;
	s5 =	sadd.s32 s5, s6;
	s6 =	smax.u32 s8, $0x1  }
0xa: {  	v7 =	vor.u32 $0x2800, v0;
	v8 =	vor.u32 $0x3000, v0;
	v9 =	vor.u32 $0x3800, v0;
	s8 =	simm.s32 $0x80;
	s4 =	sadd.s32 $0x400, s7;
	s7 =	simm.s32 $0x1  }
.LBB2_1:
0xb: {  	[tilespmem:s2], [sflag:$0x1] =	stream.linear.gather [hbm4b:s4+s2], $0x4000, $0x38;
	[tilespmem:$0xF600] =	vst v63  }
0xc: {  	_ =	swait.ge [sflag:s7], $0x4000  }
0xd: {  	[sflag:s7] =	ssyncset.done $0x0  }
0xe: {  	s16 =	simm.s32 $0xD700;
	[sflag:s7] =	ssyncadd.s32 $0xFFFFC000  }
0xf: {  	[tilespmem:s16+$0xFFFFFF00] =	vst v1  }
0x10: {  	[tilespmem:s16+$0xF0] =	vst v1  }
0x11: {  	[tilespmem:s16+$0xE0] =	vst v1  }
0x12: {  	[tilespmem:s16+$0xD0] =	vst v1  }
0x13: {  	[tilespmem:s16+$0xC0] =	vst v1  }
0x14: {  	[tilespmem:s16+$0xB0] =	vst v1  }
0x15: {  	[tilespmem:s16+$0xA0] =	vst v1  }
0x16: {  	[tilespmem:s16+$0x90] =	vst v1  }
0x17: {  	[tilespmem:s16+$0x80] =	vst v1  }
0x18: {  	[tilespmem:s16+$0x70] =	vst v1  }
0x19: {  	[tilespmem:s16+$0x60] =	vst v1  }
0x1a: {  	[tilespmem:s16+$0x50] =	vst v1  }
0x1b: {  	[tilespmem:s16+$0x40] =	vst v1  }
0x1c: {  	[tilespmem:s16+$0x30] =	vst v1  }
0x1d: {  	[tilespmem:s16+$0x20] =	vst v1  }
0x1e: {  	[tilespmem:s16+$0x10] =	vst v1  }
0x1f: {  	[tilespmem:s16+$0x0] =	vst v1  }
0x20: {  	[tilespmem:s16+$0xFFFFFFF0] =	vst v1  }
0x21: {  	[tilespmem:s16+$0xFFFFFFE0] =	vst v1  }
0x22: {  	[tilespmem:s16+$0xFFFFFFD0] =	vst v1  }
0x23: {  	[tilespmem:s16+$0xFFFFFFC0] =	vst v1  }
0x24: {  	[tilespmem:s16+$0xFFFFFFB0] =	vst v1  }
0x25: {  	[tilespmem:s16+$0xFFFFFFA0] =	vst v1  }
0x26: {  	[tilespmem:s16+$0xFFFFFF90] =	vst v1  }
0x27: {  	[tilespmem:s16+$0xFFFFFF80] =	vst v1  }
0x28: {  	[tilespmem:s16+$0xFFFFFF70] =	vst v1  }
0x29: {  	[tilespmem:s16+$0xFFFFFF60] =	vst v1  }
0x2a: {  	[tilespmem:s16+$0xFFFFFF50] =	vst v1  }
0x2b: {  	[tilespmem:s16+$0xFFFFFF40] =	vst v1  }
0x2c: {  	s17 =	simm.s32 $0x0;
	[tilespmem:s16+$0xFFFFFF30] =	vst v1  }
0x2d: {  	s13 =	simm.s32 $0x846C;
	s14 =	simm.s32 $0x2008;
	s15 =	simm.s32 $0x6A4;
	[tilespmem:s16+$0xFFFFFF20] =	vst v1  }
.LBB2_2:
0x2e: {  	s17 =	sadd.s32 $0x8, s17;
	[tilespmem:s16+$0xFFFFFF10] =	vst v1;
	s16 =	sadd.s32 $0x200, s16  }
0x2f: {  	[tilespmem:s16+$0xFFFFFF00] =	vst v1;
	p0 =	slt.u32 s17, $0x78  }
0x30: {  	[tilespmem:s16+$0xF0] =	vst v1  }
0x31: {  	[tilespmem:s16+$0xE0] =	vst v1  }
0x32: {  	[tilespmem:s16+$0xD0] =	vst v1  }
0x33: {  	[tilespmem:s16+$0xC0] =	vst v1  }
0x34: {  	[tilespmem:s16+$0xB0] =	vst v1  }
0x35: {  	[tilespmem:s16+$0xA0] =	vst v1  }
0x36: {  	[tilespmem:s16+$0x90] =	vst v1  }
0x37: {  	[tilespmem:s16+$0x80] =	vst v1  }
0x38: {  	[tilespmem:s16+$0x70] =	vst v1  }
0x39: {  	[tilespmem:s16+$0x60] =	vst v1  }
0x3a: {  	[tilespmem:s16+$0x50] =	vst v1  }
0x3b: {  	[tilespmem:s16+$0x40] =	vst v1  }
0x3c: {  	[tilespmem:s16+$0x30] =	vst v1  }
0x3d: {  	[tilespmem:s16+$0x20] =	vst v1  }
0x3e: {  	[tilespmem:s16+$0x10] =	vst v1  }
0x3f: {  	[tilespmem:s16+$0x0] =	vst v1  }
0x40: {  	[tilespmem:s16+$0xFFFFFFF0] =	vst v1  }
0x41: {  	[tilespmem:s16+$0xFFFFFFE0] =	vst v1  }
0x42: {  	[tilespmem:s16+$0xFFFFFFD0] =	vst v1  }
0x43: {  	[tilespmem:s16+$0xFFFFFFC0] =	vst v1  }
0x44: {  	[tilespmem:s16+$0xFFFFFFB0] =	vst v1  }
0x45: {  	[tilespmem:s16+$0xFFFFFFA0] =	vst v1  }
0x46: {  	[tilespmem:s16+$0xFFFFFF90] =	vst v1  }
0x47: {  	[tilespmem:s16+$0xFFFFFF80] =	vst v1  }
0x48: {  	[tilespmem:s16+$0xFFFFFF70] =	vst v1  }
.Ltmp0:
0x49: {  	[tilespmem:s16+$0xFFFFFF60] =	vst v1;
	(pc) =	sbr.rel @p0 .LBB2_2-.Ltmp0, $4  }
0x4a: {  	[tilespmem:s16+$0xFFFFFF50] =	vst v1  }
0x4b: {  	[tilespmem:s16+$0xFFFFFF40] =	vst v1  }
0x4c: {  	[tilespmem:s16+$0xFFFFFF30] =	vst v1  }
0x4d: {  	[tilespmem:s16+$0xFFFFFF20] =	vst v1  }
0x4e: {  	[tilespmem:s16+$0xFFFFFF10] =	vst v1;
	s16 =	simm.s32 $0x0;
	s17 =	simm.s32 $0x0  }
.LBB2_4:
0x4f: {  	v10 =	vmov s17  }
0x50: {  	v10 =	vand.u32 $0x7F, v10  }
0x51: {  	v17 =	vbroadcast v10, $0x0;
	_ =	sdelay $0x1  }
0x52: {  	v15 =	vor.u32 v0, v17;
	_ =	sdelay $0x4  }
0x53: {  	v11 =	vld.idx.msk [tilespmem:v15+s2+$0x0], $0xffff;
	_ =	sdelay $0x4  }
0x54: {  	v10 =	vmul.f32 $6.300000000e+01, v11;
	_ =	sdelay $0x1  }
0x55: {  	v12 =	vtrunc.f32 v10  }
0x56: {  	v13 =	vcvt.f32.s32 v12;
	vm0 =	vgt.f32 v10, v12  }
0x57: {  	v10 =	vsel vm0, $0x1, v2  }
0x58: {  	v10 =	vadd.s32 v13, v10  }
0x59: {  	vm5 =	vlt.s32 v10, $0x3F  }
0x5a: {  	v10 =	vnsel vm5, $0x3F, v10  }
0x5b: {  	v29 =	vadd.s32 $0xFFFFFFFF, v10  }
0x5c: {  	v10 =	vcvt.s32.f32 v10;
	v30 =	vcvt.s32.f32 v29;
	_ =	sdelay $0x1  }
0x5d: {  	v10 =	vmul.f32 $1.587301680e-02, v10;
	v13 =	vmul.f32 $1.587301680e-02, v30  }
0x5e: {  	vm6 =	vlt.s32 v29, $0x0  }
0x5f: {  	vm7 =	vlt.f32 v10, v11;
	v10 =	vor.u32 v3, v17;
	v13 =	vsel vm6, $0xBF800000, v13  }
0x60: {  	v14 =	vsel vm7, $0x1, v2;
	vm8 =	vlt.f32 v13, v11;
	v11 =	vadd.s32 s15, v29  }
0x61: {  	v31 =	vsel vm8, $0x1, v2;
	v11 =	vadd.s32 v14, v11  }
0x62: {  	s18 =	sshra.s32 s16, $0x2;
	v11 =	vadd.s32 v31, v11  }
0x63: {  	[tilespmem:s18+$0x4000] =	vst v11  }
0x64: {  	v32 =	vld.idx.msk [tilespmem:v10+s2+$0x0], $0xffff;
	_ =	sdelay $0x4  }
0x65: {  	v11 =	vmul.f32 $6.300000000e+01, v32;
	_ =	sdelay $0x1  }
0x66: {  	v33 =	vtrunc.f32 v11  }
0x67: {  	v34 =	vcvt.f32.s32 v33;
	vm9 =	vgt.f32 v11, v33  }
0x68: {  	v11 =	vsel vm9, $0x1, v2  }
0x69: {  	v11 =	vadd.s32 v34, v11  }
0x6a: {  	vm10 =	vlt.s32 v11, $0x3F  }
0x6b: {  	v11 =	vnsel vm10, $0x3F, v11  }
0x6c: {  	v35 =	vadd.s32 $0xFFFFFFFF, v11  }
0x6d: {  	v11 =	vcvt.s32.f32 v11;
	v36 =	vcvt.s32.f32 v35;
	_ =	sdelay $0x1  }
0x6e: {  	v11 =	vmul.f32 $1.587301680e-02, v11;
	v14 =	vmul.f32 $1.587301680e-02, v36  }
0x6f: {  	vm11 =	vlt.s32 v35, $0x0  }
0x70: {  	vm12 =	vlt.f32 v11, v32;
	v11 =	vor.u32 v4, v17;
	v14 =	vsel vm11, $0xBF800000, v14  }
0x71: {  	v37 =	vadd.s32 s15, v35;
	v16 =	vsel vm12, $0x1, v2;
	vm13 =	vlt.f32 v14, v32  }
0x72: {  	v12 =	vadd.s32 v16, v37;
	v38 =	vsel vm13, $0x1, v2  }
0x73: {  	v12 =	vadd.s32 v38, v12  }
0x74: {  	[tilespmem:s18+$0x4010] =	vst v12  }
0x75: {  	v39 =	vld.idx.msk [tilespmem:v11+s2+$0x0], $0xffff;
	_ =	sdelay $0x4  }
0x76: {  	v40 =	vmul.f32 $6.300000000e+01, v39;
	_ =	sdelay $0x1  }
0x77: {  	v41 =	vtrunc.f32 v40  }
0x78: {  	v42 =	vcvt.f32.s32 v41;
	vm14 =	vgt.f32 v40, v41  }
0x79: {  	v12 =	vsel vm14, $0x1, v2  }
0x7a: {  	v12 =	vadd.s32 v42, v12  }
0x7b: {  	vm15 =	vlt.s32 v12, $0x3F  }
0x7c: {  	v12 =	vnsel vm15, $0x3F, v12  }
0x7d: {  	v43 =	vadd.s32 $0xFFFFFFFF, v12  }
0x7e: {  	v12 =	vcvt.s32.f32 v12;
	v44 =	vcvt.s32.f32 v43;
	_ =	sdelay $0x1  }
0x7f: {  	v12 =	vmul.f32 $1.587301680e-02, v12;
	v16 =	vmul.f32 $1.587301680e-02, v44  }
0x80: {  	vm4 =	vlt.s32 v43, $0x0  }
0x81: {  	vm5 =	vlt.f32 v12, v39;
	v12 =	vor.u32 v5, v17;
	v16 =	vsel vm4, $0xBF800000, v16  }
0x82: {  	v45 =	vadd.s32 s15, v43;
	v18 =	vsel vm5, $0x1, v2;
	vm6 =	vlt.f32 v16, v39  }
0x83: {  	v13 =	vadd.s32 v18, v45;
	v46 =	vsel vm6, $0x1, v2  }
0x84: {  	v13 =	vadd.s32 v46, v13  }
0x85: {  	[tilespmem:s18+$0x4020] =	vst v13  }
0x86: {  	v47 =	vld.idx.msk [tilespmem:v12+s2+$0x0], $0xffff;
	_ =	sdelay $0x4  }
0x87: {  	v48 =	vmul.f32 $6.300000000e+01, v47;
	_ =	sdelay $0x1  }
0x88: {  	v49 =	vtrunc.f32 v48  }
0x89: {  	v50 =	vcvt.f32.s32 v49;
	vm7 =	vgt.f32 v48, v49  }
0x8a: {  	v13 =	vsel vm7, $0x1, v2  }
0x8b: {  	v13 =	vadd.s32 v50, v13  }
0x8c: {  	vm8 =	vlt.s32 v13, $0x3F  }
0x8d: {  	v13 =	vnsel vm8, $0x3F, v13  }
0x8e: {  	v51 =	vadd.s32 $0xFFFFFFFF, v13  }
0x8f: {  	v13 =	vcvt.s32.f32 v13;
	v52 =	vcvt.s32.f32 v51;
	_ =	sdelay $0x1  }
0x90: {  	v13 =	vmul.f32 $1.587301680e-02, v13;
	v18 =	vmul.f32 $1.587301680e-02, v52  }
0x91: {  	vm9 =	vlt.s32 v51, $0x0  }
0x92: {  	vm10 =	vlt.f32 v13, v47;
	v13 =	vor.u32 v6, v17;
	v18 =	vsel vm9, $0xBF800000, v18  }
0x93: {  	v53 =	vadd.s32 s15, v51;
	v19 =	vsel vm10, $0x1, v2;
	vm11 =	vlt.f32 v18, v47  }
0x94: {  	v14 =	vadd.s32 v19, v53;
	v54 =	vsel vm11, $0x1, v2  }
0x95: {  	v14 =	vadd.s32 v54, v14  }
0x96: {  	[tilespmem:s18+$0x4030] =	vst v14  }
0x97: {  	v55 =	vld.idx.msk [tilespmem:v13+s2+$0x0], $0xffff;
	_ =	sdelay $0x4  }
0x98: {  	v56 =	vmul.f32 $6.300000000e+01, v55;
	_ =	sdelay $0x1  }
0x99: {  	v57 =	vtrunc.f32 v56  }
0x9a: {  	v58 =	vcvt.f32.s32 v57;
	vm12 =	vgt.f32 v56, v57  }
0x9b: {  	v14 =	vsel vm12, $0x1, v2  }
0x9c: {  	v14 =	vadd.s32 v58, v14  }
0x9d: {  	vm13 =	vlt.s32 v14, $0x3F  }
0x9e: {  	v14 =	vnsel vm13, $0x3F, v14  }
0x9f: {  	v59 =	vadd.s32 $0xFFFFFFFF, v14  }
0xa0: {  	v14 =	vcvt.s32.f32 v14;
	v60 =	vcvt.s32.f32 v59;
	_ =	sdelay $0x1  }
0xa1: {  	v14 =	vmul.f32 $1.587301680e-02, v14;
	v19 =	vmul.f32 $1.587301680e-02, v60  }
0xa2: {  	vm14 =	vlt.s32 v59, $0x0  }
0xa3: {  	vm15 =	vlt.f32 v14, v55;
	v14 =	vor.u32 v7, v17;
	v19 =	vsel vm14, $0xBF800000, v19  }
0xa4: {  	v61 =	vadd.s32 s15, v59;
	v20 =	vsel vm15, $0x1, v2;
	vm4 =	vlt.f32 v19, v55  }
0xa5: {  	v16 =	vadd.s32 v20, v61;
	v62 =	vsel vm4, $0x1, v2  }
0xa6: {  	v16 =	vadd.s32 v62, v16  }
0xa7: {  	[tilespmem:s18+$0x4040] =	vst v16  }
0xa8: {  	v63 =	vld.idx.msk [tilespmem:v14+s2+$0x0], $0xffff;
	_ =	sdelay $0x4  }
0xa9: {  	v24 =	vmul.f32 $6.300000000e+01, v63;
	_ =	sdelay $0x1  }
0xaa: {  	v25 =	vtrunc.f32 v24  }
0xab: {  	v26 =	vcvt.f32.s32 v25;
	vm5 =	vgt.f32 v24, v25  }
0xac: {  	v16 =	vsel vm5, $0x1, v2  }
0xad: {  	v16 =	vadd.s32 v26, v16  }
0xae: {  	vm6 =	vlt.s32 v16, $0x3F  }
0xaf: {  	v16 =	vnsel vm6, $0x3F, v16  }
0xb0: {  	v27 =	vadd.s32 $0xFFFFFFFF, v16  }
0xb1: {  	v16 =	vcvt.s32.f32 v16;
	v28 =	vcvt.s32.f32 v27;
	_ =	sdelay $0x1  }
0xb2: {  	v16 =	vmul.f32 $1.587301680e-02, v16;
	v20 =	vmul.f32 $1.587301680e-02, v28  }
0xb3: {  	vm7 =	vlt.s32 v27, $0x0  }
0xb4: {  	vm8 =	vlt.f32 v16, v63;
	v16 =	vor.u32 v8, v17;
	v20 =	vsel vm7, $0xBF800000, v20  }
0xb5: {  	v29 =	vadd.s32 s15, v27;
	v21 =	vsel vm8, $0x1, v2;
	vm9 =	vlt.f32 v20, v63  }
0xb6: {  	v18 =	vadd.s32 v21, v29;
	v30 =	vsel vm9, $0x1, v2  }
0xb7: {  	v18 =	vadd.s32 v30, v18  }
0xb8: {  	[tilespmem:s18+$0x4050] =	vst v18  }
0xb9: {  	v18 =	vld.idx.msk [tilespmem:v16+s2+$0x0], $0xffff;
	_ =	sdelay $0x4  }
0xba: {  	v31 =	vmul.f32 $6.300000000e+01, v18;
	_ =	sdelay $0x1  }
0xbb: {  	v32 =	vtrunc.f32 v31  }
0xbc: {  	v33 =	vcvt.f32.s32 v32;
	vm10 =	vgt.f32 v31, v32  }
0xbd: {  	v19 =	vsel vm10, $0x1, v2  }
0xbe: {  	v19 =	vadd.s32 v33, v19  }
0xbf: {  	vm11 =	vlt.s32 v19, $0x3F  }
0xc0: {  	v19 =	vnsel vm11, $0x3F, v19  }
0xc1: {  	v34 =	vadd.s32 $0xFFFFFFFF, v19  }
0xc2: {  	v19 =	vcvt.s32.f32 v19;
	v35 =	vcvt.s32.f32 v34;
	_ =	sdelay $0x1  }
0xc3: {  	v19 =	vmul.f32 $1.587301680e-02, v19;
	v21 =	vmul.f32 $1.587301680e-02, v35  }
0xc4: {  	vm12 =	vlt.s32 v34, $0x0  }
0xc5: {  	v17 =	vor.u32 v9, v17;
	vm13 =	vlt.f32 v19, v18;
	v21 =	vsel vm12, $0xBF800000, v21  }
0xc6: {  	v36 =	vadd.s32 s15, v34;
	v19 =	vsel vm13, $0x1, v2;
	vm14 =	vlt.f32 v21, v18  }
0xc7: {  	v18 =	vadd.s32 v19, v36;
	v37 =	vsel vm14, $0x1, v2  }
0xc8: {  	v18 =	vadd.s32 v37, v18  }
0xc9: {  	[tilespmem:s18+$0x4060] =	vst v18  }
0xca: {  	v18 =	vld.idx.msk [tilespmem:v17+s2+$0x0], $0xffff;
	_ =	sdelay $0x4  }
0xcb: {  	v38 =	vmul.f32 $6.300000000e+01, v18;
	_ =	sdelay $0x1  }
0xcc: {  	v39 =	vtrunc.f32 v38  }
0xcd: {  	v40 =	vcvt.f32.s32 v39;
	vm15 =	vgt.f32 v38, v39  }
0xce: {  	v19 =	vsel vm15, $0x1, v2  }
0xcf: {  	v19 =	vadd.s32 v40, v19  }
0xd0: {  	vm4 =	vlt.s32 v19, $0x3F  }
0xd1: {  	v19 =	vnsel vm4, $0x3F, v19  }
0xd2: {  	v41 =	vadd.s32 $0xFFFFFFFF, v19  }
0xd3: {  	v19 =	vcvt.s32.f32 v19;
	v42 =	vcvt.s32.f32 v41;
	_ =	sdelay $0x1  }
0xd4: {  	v19 =	vmul.f32 $1.587301680e-02, v19;
	v21 =	vmul.f32 $1.587301680e-02, v42  }
0xd5: {  	vm5 =	vlt.s32 v41, $0x0  }
0xd6: {  	vm6 =	vlt.f32 v19, v18;
	v21 =	vsel vm5, $0xBF800000, v21  }
0xd7: {  	v43 =	vadd.s32 s15, v41;
	v19 =	vsel vm6, $0x1, v2;
	vm7 =	vlt.f32 v21, v18  }
0xd8: {  	v18 =	vadd.s32 v19, v43;
	v44 =	vsel vm7, $0x1, v2  }
0xd9: {  	v18 =	vadd.s32 v44, v18  }
0xda: {  	[tilespmem:s18+$0x4070] =	vst v18  }
0xdb: {  	v18 =	vld.idx.msk [tilespmem:v15+s2+$0x0], $0xffff;
	_ =	sdelay $0x4  }
0xdc: {  	v45 =	vmul.f32 $2.550000000e+02, v18;
	_ =	sdelay $0x1  }
0xdd: {  	v46 =	vtrunc.f32 v45  }
0xde: {  	v47 =	vcvt.f32.s32 v46;
	vm8 =	vgt.f32 v45, v46  }
0xdf: {  	v19 =	vsel vm8, $0x1, v2  }
0xe0: {  	v19 =	vadd.s32 v47, v19  }
0xe1: {  	vm9 =	vlt.s32 v19, $0xFF  }
0xe2: {  	v19 =	vnsel vm9, $0xFF, v19  }
0xe3: {  	v48 =	vadd.s32 $0xFFFFFFFF, v19  }
0xe4: {  	v19 =	vcvt.s32.f32 v19;
	v49 =	vcvt.s32.f32 v48;
	_ =	sdelay $0x1  }
0xe5: {  	v19 =	vmul.f32 $3.921568860e-03, v19;
	v21 =	vmul.f32 $3.921568860e-03, v49  }
0xe6: {  	vm10 =	vlt.s32 v48, $0x0  }
0xe7: {  	vm11 =	vlt.f32 v19, v18;
	v21 =	vsel vm10, $0xBF800000, v21  }
0xe8: {  	v50 =	vadd.s32 s14, v48;
	v19 =	vsel vm11, $0x1, v2;
	vm12 =	vlt.f32 v21, v18  }
0xe9: {  	v18 =	vadd.s32 v19, v50;
	v51 =	vsel vm12, $0x1, v2  }
0xea: {  	v18 =	vadd.s32 v51, v18  }
0xeb: {  	[tilespmem:s18+$0x7200] =	vst v18  }
0xec: {  	v18 =	vld.idx.msk [tilespmem:v10+s2+$0x0], $0xffff;
	_ =	sdelay $0x4  }
0xed: {  	v52 =	vmul.f32 $2.550000000e+02, v18;
	_ =	sdelay $0x1  }
0xee: {  	v53 =	vtrunc.f32 v52  }
0xef: {  	v54 =	vcvt.f32.s32 v53;
	vm13 =	vgt.f32 v52, v53  }
0xf0: {  	v19 =	vsel vm13, $0x1, v2  }
0xf1: {  	v19 =	vadd.s32 v54, v19  }
0xf2: {  	vm14 =	vlt.s32 v19, $0xFF  }
0xf3: {  	v19 =	vnsel vm14, $0xFF, v19  }
0xf4: {  	v55 =	vadd.s32 $0xFFFFFFFF, v19  }
0xf5: {  	v19 =	vcvt.s32.f32 v19;
	v56 =	vcvt.s32.f32 v55;
	_ =	sdelay $0x1  }
0xf6: {  	v19 =	vmul.f32 $3.921568860e-03, v19;
	v21 =	vmul.f32 $3.921568860e-03, v56  }
0xf7: {  	vm15 =	vlt.s32 v55, $0x0  }
0xf8: {  	vm4 =	vlt.f32 v19, v18;
	v21 =	vsel vm15, $0xBF800000, v21  }
0xf9: {  	v57 =	vadd.s32 s14, v55;
	v19 =	vsel vm4, $0x1, v2;
	vm5 =	vlt.f32 v21, v18  }
0xfa: {  	v18 =	vadd.s32 v19, v57;
	v58 =	vsel vm5, $0x1, v2  }
0xfb: {  	v18 =	vadd.s32 v58, v18  }
0xfc: {  	[tilespmem:s18+$0x7210] =	vst v18  }
0xfd: {  	v18 =	vld.idx.msk [tilespmem:v11+s2+$0x0], $0xffff;
	_ =	sdelay $0x4  }
0xfe: {  	v59 =	vmul.f32 $2.550000000e+02, v18;
	_ =	sdelay $0x1  }
0xff: {  	v60 =	vtrunc.f32 v59  }
0x100: {  	v61 =	vcvt.f32.s32 v60;
	vm6 =	vgt.f32 v59, v60  }
0x101: {  	v19 =	vsel vm6, $0x1, v2  }
0x102: {  	v19 =	vadd.s32 v61, v19  }
0x103: {  	vm7 =	vlt.s32 v19, $0xFF  }
0x104: {  	v19 =	vnsel vm7, $0xFF, v19  }
0x105: {  	v62 =	vadd.s32 $0xFFFFFFFF, v19  }
0x106: {  	v19 =	vcvt.s32.f32 v19;
	v63 =	vcvt.s32.f32 v62;
	_ =	sdelay $0x1  }
0x107: {  	v19 =	vmul.f32 $3.921568860e-03, v19;
	v21 =	vmul.f32 $3.921568860e-03, v63  }
0x108: {  	vm8 =	vlt.s32 v62, $0x0  }
0x109: {  	vm9 =	vlt.f32 v19, v18;
	v21 =	vsel vm8, $0xBF800000, v21  }
0x10a: {  	v24 =	vadd.s32 s14, v62;
	v19 =	vsel vm9, $0x1, v2;
	vm10 =	vlt.f32 v21, v18  }
0x10b: {  	v18 =	vadd.s32 v19, v24;
	v25 =	vsel vm10, $0x1, v2  }
0x10c: {  	v18 =	vadd.s32 v25, v18  }
0x10d: {  	[tilespmem:s18+$0x7220] =	vst v18  }
0x10e: {  	v18 =	vld.idx.msk [tilespmem:v12+s2+$0x0], $0xffff;
	_ =	sdelay $0x4  }
0x10f: {  	v26 =	vmul.f32 $2.550000000e+02, v18;
	_ =	sdelay $0x1  }
0x110: {  	v27 =	vtrunc.f32 v26  }
0x111: {  	v28 =	vcvt.f32.s32 v27;
	vm11 =	vgt.f32 v26, v27  }
0x112: {  	v19 =	vsel vm11, $0x1, v2  }
0x113: {  	v19 =	vadd.s32 v28, v19  }
0x114: {  	vm12 =	vlt.s32 v19, $0xFF  }
0x115: {  	v19 =	vnsel vm12, $0xFF, v19  }
0x116: {  	v29 =	vadd.s32 $0xFFFFFFFF, v19  }
0x117: {  	v19 =	vcvt.s32.f32 v19;
	v30 =	vcvt.s32.f32 v29;
	_ =	sdelay $0x1  }
0x118: {  	v19 =	vmul.f32 $3.921568860e-03, v19;
	v21 =	vmul.f32 $3.921568860e-03, v30  }
0x119: {  	vm13 =	vlt.s32 v29, $0x0  }
0x11a: {  	vm14 =	vlt.f32 v19, v18;
	v21 =	vsel vm13, $0xBF800000, v21  }
0x11b: {  	v31 =	vadd.s32 s14, v29;
	v19 =	vsel vm14, $0x1, v2;
	vm15 =	vlt.f32 v21, v18  }
0x11c: {  	v18 =	vadd.s32 v19, v31;
	v32 =	vsel vm15, $0x1, v2  }
0x11d: {  	v18 =	vadd.s32 v32, v18  }
0x11e: {  	[tilespmem:s18+$0x7230] =	vst v18  }
0x11f: {  	v18 =	vld.idx.msk [tilespmem:v13+s2+$0x0], $0xffff;
	_ =	sdelay $0x4  }
0x120: {  	v33 =	vmul.f32 $2.550000000e+02, v18;
	_ =	sdelay $0x1  }
0x121: {  	v34 =	vtrunc.f32 v33  }
0x122: {  	v35 =	vcvt.f32.s32 v34;
	vm4 =	vgt.f32 v33, v34  }
0x123: {  	v19 =	vsel vm4, $0x1, v2  }
0x124: {  	v19 =	vadd.s32 v35, v19  }
0x125: {  	vm5 =	vlt.s32 v19, $0xFF  }
0x126: {  	v19 =	vnsel vm5, $0xFF, v19  }
0x127: {  	v36 =	vadd.s32 $0xFFFFFFFF, v19  }
0x128: {  	v19 =	vcvt.s32.f32 v19;
	v37 =	vcvt.s32.f32 v36;
	_ =	sdelay $0x1  }
0x129: {  	v19 =	vmul.f32 $3.921568860e-03, v19;
	v21 =	vmul.f32 $3.921568860e-03, v37  }
0x12a: {  	vm6 =	vlt.s32 v36, $0x0  }
0x12b: {  	vm7 =	vlt.f32 v19, v18;
	v21 =	vsel vm6, $0xBF800000, v21  }
0x12c: {  	v38 =	vadd.s32 s14, v36;
	v19 =	vsel vm7, $0x1, v2;
	vm8 =	vlt.f32 v21, v18  }
0x12d: {  	v18 =	vadd.s32 v19, v38;
	v39 =	vsel vm8, $0x1, v2  }
0x12e: {  	v18 =	vadd.s32 v39, v18  }
0x12f: {  	[tilespmem:s18+$0x7240] =	vst v18  }
0x130: {  	v18 =	vld.idx.msk [tilespmem:v14+s2+$0x0], $0xffff;
	_ =	sdelay $0x4  }
0x131: {  	v40 =	vmul.f32 $2.550000000e+02, v18;
	_ =	sdelay $0x1  }
0x132: {  	v41 =	vtrunc.f32 v40  }
0x133: {  	v42 =	vcvt.f32.s32 v41;
	vm9 =	vgt.f32 v40, v41  }
0x134: {  	v19 =	vsel vm9, $0x1, v2  }
0x135: {  	v19 =	vadd.s32 v42, v19  }
0x136: {  	vm10 =	vlt.s32 v19, $0xFF  }
0x137: {  	v19 =	vnsel vm10, $0xFF, v19  }
0x138: {  	v43 =	vadd.s32 $0xFFFFFFFF, v19  }
0x139: {  	v19 =	vcvt.s32.f32 v19;
	v44 =	vcvt.s32.f32 v43;
	_ =	sdelay $0x1  }
0x13a: {  	v19 =	vmul.f32 $3.921568860e-03, v19;
	v21 =	vmul.f32 $3.921568860e-03, v44  }
0x13b: {  	vm11 =	vlt.s32 v43, $0x0  }
0x13c: {  	vm12 =	vlt.f32 v19, v18;
	v21 =	vsel vm11, $0xBF800000, v21  }
0x13d: {  	v45 =	vadd.s32 s14, v43;
	v19 =	vsel vm12, $0x1, v2;
	vm13 =	vlt.f32 v21, v18  }
0x13e: {  	v18 =	vadd.s32 v19, v45;
	v46 =	vsel vm13, $0x1, v2  }
0x13f: {  	v18 =	vadd.s32 v46, v18  }
0x140: {  	[tilespmem:s18+$0x7250] =	vst v18  }
0x141: {  	v18 =	vld.idx.msk [tilespmem:v16+s2+$0x0], $0xffff;
	_ =	sdelay $0x4  }
0x142: {  	v47 =	vmul.f32 $2.550000000e+02, v18;
	_ =	sdelay $0x1  }
0x143: {  	v48 =	vtrunc.f32 v47  }
0x144: {  	v49 =	vcvt.f32.s32 v48;
	vm14 =	vgt.f32 v47, v48  }
0x145: {  	v19 =	vsel vm14, $0x1, v2  }
0x146: {  	v19 =	vadd.s32 v49, v19  }
0x147: {  	vm15 =	vlt.s32 v19, $0xFF  }
0x148: {  	v19 =	vnsel vm15, $0xFF, v19  }
0x149: {  	v50 =	vadd.s32 $0xFFFFFFFF, v19  }
0x14a: {  	v19 =	vcvt.s32.f32 v19;
	v51 =	vcvt.s32.f32 v50;
	_ =	sdelay $0x1  }
0x14b: {  	v19 =	vmul.f32 $3.921568860e-03, v19;
	v21 =	vmul.f32 $3.921568860e-03, v51  }
0x14c: {  	vm4 =	vlt.s32 v50, $0x0  }
0x14d: {  	vm5 =	vlt.f32 v19, v18;
	v21 =	vsel vm4, $0xBF800000, v21  }
0x14e: {  	v52 =	vadd.s32 s14, v50;
	v19 =	vsel vm5, $0x1, v2;
	vm6 =	vlt.f32 v21, v18  }
0x14f: {  	v18 =	vadd.s32 v19, v52;
	v53 =	vsel vm6, $0x1, v2  }
0x150: {  	v18 =	vadd.s32 v53, v18  }
0x151: {  	[tilespmem:s18+$0x7260] =	vst v18  }
0x152: {  	v18 =	vld.idx.msk [tilespmem:v17+s2+$0x0], $0xffff;
	_ =	sdelay $0x4  }
0x153: {  	v54 =	vmul.f32 $2.550000000e+02, v18;
	_ =	sdelay $0x1  }
0x154: {  	v55 =	vtrunc.f32 v54  }
0x155: {  	v56 =	vcvt.f32.s32 v55;
	vm7 =	vgt.f32 v54, v55  }
0x156: {  	v19 =	vsel vm7, $0x1, v2  }
0x157: {  	v19 =	vadd.s32 v56, v19  }
0x158: {  	vm8 =	vlt.s32 v19, $0xFF  }
0x159: {  	v19 =	vnsel vm8, $0xFF, v19  }
0x15a: {  	v57 =	vadd.s32 $0xFFFFFFFF, v19  }
0x15b: {  	v19 =	vcvt.s32.f32 v19;
	v58 =	vcvt.s32.f32 v57;
	_ =	sdelay $0x1  }
0x15c: {  	v19 =	vmul.f32 $3.921568860e-03, v19;
	v21 =	vmul.f32 $3.921568860e-03, v58  }
0x15d: {  	vm9 =	vlt.s32 v57, $0x0  }
0x15e: {  	vm10 =	vlt.f32 v19, v18;
	v21 =	vsel vm9, $0xBF800000, v21  }
0x15f: {  	v59 =	vadd.s32 s14, v57;
	v19 =	vsel vm10, $0x1, v2;
	vm11 =	vlt.f32 v21, v18  }
0x160: {  	v18 =	vadd.s32 v19, v59;
	v60 =	vsel vm11, $0x1, v2  }
0x161: {  	v18 =	vadd.s32 v60, v18  }
0x162: {  	[tilespmem:s18+$0x7270] =	vst v18  }
0x163: {  	v15 =	vld.idx.msk [tilespmem:v15+s2+$0x0], $0xffff;
	_ =	sdelay $0x4  }
0x164: {  	v61 =	vmul.f32 $1.023000000e+03, v15;
	_ =	sdelay $0x1  }
0x165: {  	v62 =	vtrunc.f32 v61  }
0x166: {  	v63 =	vcvt.f32.s32 v62;
	vm12 =	vgt.f32 v61, v62  }
0x167: {  	v18 =	vsel vm12, $0x1, v2  }
0x168: {  	v18 =	vadd.s32 v63, v18  }
0x169: {  	vm13 =	vlt.s32 v18, $0x3FF  }
0x16a: {  	v18 =	vnsel vm13, $0x3FF, v18  }
0x16b: {  	v24 =	vadd.s32 $0xFFFFFFFF, v18  }
0x16c: {  	v18 =	vcvt.s32.f32 v18;
	v25 =	vcvt.s32.f32 v24;
	_ =	sdelay $0x1  }
0x16d: {  	v18 =	vmul.f32 $9.775171050e-04, v18;
	v20 =	vmul.f32 $9.775171050e-04, v25  }
0x16e: {  	vm14 =	vlt.s32 v24, $0x0  }
0x16f: {  	vm15 =	vlt.f32 v18, v15;
	v20 =	vsel vm14, $0xBF800000, v20  }
0x170: {  	v26 =	vadd.s32 s13, v24;
	v18 =	vsel vm15, $0x1, v2;
	vm4 =	vlt.f32 v20, v15  }
0x171: {  	v15 =	vadd.s32 v18, v26;
	v27 =	vsel vm4, $0x1, v2  }
0x172: {  	v15 =	vadd.s32 v27, v15  }
0x173: {  	[tilespmem:s18+$0xA400] =	vst v15  }
0x174: {  	v10 =	vld.idx.msk [tilespmem:v10+s2+$0x0], $0xffff;
	_ =	sdelay $0x4  }
0x175: {  	v28 =	vmul.f32 $1.023000000e+03, v10;
	_ =	sdelay $0x1  }
0x176: {  	v29 =	vtrunc.f32 v28  }
0x177: {  	v30 =	vcvt.f32.s32 v29;
	vm5 =	vgt.f32 v28, v29  }
0x178: {  	v15 =	vsel vm5, $0x1, v2  }
0x179: {  	v15 =	vadd.s32 v30, v15  }
0x17a: {  	vm6 =	vlt.s32 v15, $0x3FF  }
0x17b: {  	v15 =	vnsel vm6, $0x3FF, v15  }
0x17c: {  	v31 =	vadd.s32 $0xFFFFFFFF, v15  }
0x17d: {  	v15 =	vcvt.s32.f32 v15;
	v32 =	vcvt.s32.f32 v31;
	_ =	sdelay $0x1  }
0x17e: {  	v15 =	vmul.f32 $9.775171050e-04, v15;
	v19 =	vmul.f32 $9.775171050e-04, v32  }
0x17f: {  	vm7 =	vlt.s32 v31, $0x0  }
0x180: {  	vm8 =	vlt.f32 v15, v10;
	v19 =	vsel vm7, $0xBF800000, v19  }
0x181: {  	v15 =	vsel vm8, $0x1, v2;
	vm9 =	vlt.f32 v19, v10;
	v10 =	vadd.s32 s13, v31  }
0x182: {  	v33 =	vsel vm9, $0x1, v2;
	v10 =	vadd.s32 v15, v10  }
0x183: {  	v10 =	vadd.s32 v33, v10  }
0x184: {  	[tilespmem:s18+$0xA410] =	vst v10  }
0x185: {  	v10 =	vld.idx.msk [tilespmem:v11+s2+$0x0], $0xffff;
	_ =	sdelay $0x4  }
0x186: {  	v11 =	vmul.f32 $1.023000000e+03, v10;
	_ =	sdelay $0x1  }
0x187: {  	v34 =	vtrunc.f32 v11  }
0x188: {  	v35 =	vcvt.f32.s32 v34;
	vm10 =	vgt.f32 v11, v34  }
0x189: {  	v11 =	vsel vm10, $0x1, v2  }
0x18a: {  	v11 =	vadd.s32 v35, v11  }
0x18b: {  	vm11 =	vlt.s32 v11, $0x3FF  }
0x18c: {  	v11 =	vnsel vm11, $0x3FF, v11  }
0x18d: {  	v36 =	vadd.s32 $0xFFFFFFFF, v11  }
0x18e: {  	v11 =	vcvt.s32.f32 v11;
	v37 =	vcvt.s32.f32 v36;
	_ =	sdelay $0x1  }
0x18f: {  	v11 =	vmul.f32 $9.775171050e-04, v11;
	v18 =	vmul.f32 $9.775171050e-04, v37  }
0x190: {  	vm12 =	vlt.s32 v36, $0x0  }
0x191: {  	vm13 =	vlt.f32 v11, v10;
	v18 =	vsel vm12, $0xBF800000, v18  }
0x192: {  	v11 =	vsel vm13, $0x1, v2;
	vm14 =	vlt.f32 v18, v10;
	v10 =	vadd.s32 s13, v36  }
0x193: {  	v38 =	vsel vm14, $0x1, v2;
	v10 =	vadd.s32 v11, v10  }
0x194: {  	v10 =	vadd.s32 v38, v10  }
0x195: {  	[tilespmem:s18+$0xA420] =	vst v10  }
0x196: {  	v10 =	vld.idx.msk [tilespmem:v12+s2+$0x0], $0xffff;
	_ =	sdelay $0x4  }
0x197: {  	v11 =	vmul.f32 $1.023000000e+03, v10;
	_ =	sdelay $0x1  }
0x198: {  	v39 =	vtrunc.f32 v11  }
0x199: {  	v40 =	vcvt.f32.s32 v39;
	vm15 =	vgt.f32 v11, v39  }
0x19a: {  	v11 =	vsel vm15, $0x1, v2  }
0x19b: {  	v11 =	vadd.s32 v40, v11  }
0x19c: {  	vm4 =	vlt.s32 v11, $0x3FF  }
0x19d: {  	v11 =	vnsel vm4, $0x3FF, v11  }
0x19e: {  	v41 =	vadd.s32 $0xFFFFFFFF, v11  }
0x19f: {  	v11 =	vcvt.s32.f32 v11;
	v42 =	vcvt.s32.f32 v41;
	_ =	sdelay $0x1  }
0x1a0: {  	v11 =	vmul.f32 $9.775171050e-04, v11;
	v15 =	vmul.f32 $9.775171050e-04, v42  }
0x1a1: {  	vm5 =	vlt.s32 v41, $0x0  }
0x1a2: {  	vm6 =	vlt.f32 v11, v10;
	v15 =	vsel vm5, $0xBF800000, v15  }
0x1a3: {  	v11 =	vsel vm6, $0x1, v2;
	vm7 =	vlt.f32 v15, v10;
	v10 =	vadd.s32 s13, v41  }
0x1a4: {  	v43 =	vsel vm7, $0x1, v2;
	v10 =	vadd.s32 v11, v10  }
0x1a5: {  	v10 =	vadd.s32 v43, v10  }
0x1a6: {  	[tilespmem:s18+$0xA430] =	vst v10  }
0x1a7: {  	v10 =	vld.idx.msk [tilespmem:v13+s2+$0x0], $0xffff;
	_ =	sdelay $0x4  }
0x1a8: {  	v11 =	vmul.f32 $1.023000000e+03, v10;
	_ =	sdelay $0x1  }
0x1a9: {  	v44 =	vtrunc.f32 v11  }
0x1aa: {  	v45 =	vcvt.f32.s32 v44;
	vm8 =	vgt.f32 v11, v44  }
0x1ab: {  	v11 =	vsel vm8, $0x1, v2  }
0x1ac: {  	v11 =	vadd.s32 v45, v11  }
0x1ad: {  	vm9 =	vlt.s32 v11, $0x3FF  }
0x1ae: {  	v11 =	vnsel vm9, $0x3FF, v11  }
0x1af: {  	v46 =	vadd.s32 $0xFFFFFFFF, v11  }
0x1b0: {  	v11 =	vcvt.s32.f32 v11;
	v47 =	vcvt.s32.f32 v46;
	_ =	sdelay $0x1  }
0x1b1: {  	v11 =	vmul.f32 $9.775171050e-04, v11;
	v13 =	vmul.f32 $9.775171050e-04, v47  }
0x1b2: {  	vm10 =	vlt.s32 v46, $0x0  }
0x1b3: {  	vm11 =	vlt.f32 v11, v10;
	v13 =	vsel vm10, $0xBF800000, v13  }
0x1b4: {  	v11 =	vsel vm11, $0x1, v2;
	vm12 =	vlt.f32 v13, v10;
	v10 =	vadd.s32 s13, v46  }
0x1b5: {  	v48 =	vsel vm12, $0x1, v2;
	v10 =	vadd.s32 v11, v10  }
0x1b6: {  	v10 =	vadd.s32 v48, v10  }
0x1b7: {  	[tilespmem:s18+$0xA440] =	vst v10  }
0x1b8: {  	v10 =	vld.idx.msk [tilespmem:v14+s2+$0x0], $0xffff;
	_ =	sdelay $0x4  }
0x1b9: {  	v11 =	vmul.f32 $1.023000000e+03, v10;
	_ =	sdelay $0x1  }
0x1ba: {  	v49 =	vtrunc.f32 v11  }
0x1bb: {  	v50 =	vcvt.f32.s32 v49;
	vm13 =	vgt.f32 v11, v49  }
0x1bc: {  	v11 =	vsel vm13, $0x1, v2  }
0x1bd: {  	v11 =	vadd.s32 v50, v11  }
0x1be: {  	vm14 =	vlt.s32 v11, $0x3FF  }
0x1bf: {  	v11 =	vnsel vm14, $0x3FF, v11  }
0x1c0: {  	v51 =	vadd.s32 $0xFFFFFFFF, v11  }
0x1c1: {  	v11 =	vcvt.s32.f32 v11;
	v52 =	vcvt.s32.f32 v51;
	_ =	sdelay $0x1  }
0x1c2: {  	v11 =	vmul.f32 $9.775171050e-04, v11;
	v13 =	vmul.f32 $9.775171050e-04, v52  }
0x1c3: {  	vm15 =	vlt.s32 v51, $0x0  }
0x1c4: {  	vm4 =	vlt.f32 v11, v10;
	v13 =	vsel vm15, $0xBF800000, v13  }
0x1c5: {  	v11 =	vsel vm4, $0x1, v2;
	vm5 =	vlt.f32 v13, v10;
	v10 =	vadd.s32 s13, v51  }
0x1c6: {  	v53 =	vsel vm5, $0x1, v2;
	v10 =	vadd.s32 v11, v10  }
0x1c7: {  	v10 =	vadd.s32 v53, v10  }
0x1c8: {  	[tilespmem:s18+$0xA450] =	vst v10  }
0x1c9: {  	v10 =	vld.idx.msk [tilespmem:v16+s2+$0x0], $0xffff;
	_ =	sdelay $0x4  }
0x1ca: {  	v11 =	vmul.f32 $1.023000000e+03, v10;
	_ =	sdelay $0x1  }
0x1cb: {  	v54 =	vtrunc.f32 v11  }
0x1cc: {  	v55 =	vcvt.f32.s32 v54;
	vm6 =	vgt.f32 v11, v54  }
0x1cd: {  	v11 =	vsel vm6, $0x1, v2  }
0x1ce: {  	v11 =	vadd.s32 v55, v11  }
0x1cf: {  	vm7 =	vlt.s32 v11, $0x3FF  }
0x1d0: {  	v11 =	vnsel vm7, $0x3FF, v11  }
0x1d1: {  	v56 =	vadd.s32 $0xFFFFFFFF, v11  }
0x1d2: {  	v11 =	vcvt.s32.f32 v11;
	v57 =	vcvt.s32.f32 v56;
	_ =	sdelay $0x1  }
0x1d3: {  	v11 =	vmul.f32 $9.775171050e-04, v11;
	v13 =	vmul.f32 $9.775171050e-04, v57  }
0x1d4: {  	vm8 =	vlt.s32 v56, $0x0  }
0x1d5: {  	vm9 =	vlt.f32 v11, v10;
	v13 =	vsel vm8, $0xBF800000, v13  }
0x1d6: {  	v11 =	vsel vm9, $0x1, v2;
	vm10 =	vlt.f32 v13, v10;
	v10 =	vadd.s32 s13, v56  }
0x1d7: {  	v58 =	vsel vm10, $0x1, v2;
	v10 =	vadd.s32 v11, v10  }
0x1d8: {  	v10 =	vadd.s32 v58, v10  }
0x1d9: {  	[tilespmem:s18+$0xA460] =	vst v10  }
0x1da: {  	v10 =	vld.idx.msk [tilespmem:v17+s2+$0x0], $0xffff;
	_ =	sdelay $0x4  }
0x1db: {  	v11 =	vmul.f32 $1.023000000e+03, v10;
	_ =	sdelay $0x1  }
0x1dc: {  	v59 =	vtrunc.f32 v11  }
0x1dd: {  	v60 =	vcvt.f32.s32 v59;
	vm11 =	vgt.f32 v11, v59  }
0x1de: {  	v11 =	vsel vm11, $0x1, v2  }
0x1df: {  	v11 =	vadd.s32 v60, v11  }
0x1e0: {  	vm12 =	vlt.s32 v11, $0x3FF  }
0x1e1: {  	v11 =	vnsel vm12, $0x3FF, v11  }
0x1e2: {  	v61 =	vadd.s32 $0xFFFFFFFF, v11  }
0x1e3: {  	v11 =	vcvt.s32.f32 v11;
	v62 =	vcvt.s32.f32 v61;
	_ =	sdelay $0x1  }
0x1e4: {  	v11 =	vmul.f32 $9.775171050e-04, v11;
	v13 =	vmul.f32 $9.775171050e-04, v62  }
0x1e5: {  	vm13 =	vlt.s32 v61, $0x0  }
0x1e6: {  	vm14 =	vlt.f32 v11, v10;
	v13 =	vsel vm13, $0xBF800000, v13  }
0x1e7: {  	v11 =	vsel vm14, $0x1, v2;
	vm15 =	vlt.f32 v13, v10;
	v10 =	vadd.s32 s13, v61  }
0x1e8: {  	v63 =	vsel vm15, $0x1, v2;
	v10 =	vadd.s32 v11, v10  }
0x1e9: {  	p0 =	slt.u32 s17, $0x8;
	v10 =	vadd.s32 v63, v10  }
0x1ea: {  	s19 =	simm.s32 @!p0 $0x2;
	[tilespmem:s18+$0xA470] =	vst v10  }
0x1eb: {  	_ =	swait.ge @!p0 [sflag:s19], $0x2000  }
0x1ec: {  	[sflag:s19] =	ssyncset.done @!p0 $0x0  }
0x1ed: {  	[sflag:s19] =	ssyncadd.s32 @!p0 $0xFFFFE000  }
0x1ee: {  	_ =	swait.ge @!p0 [sflag:s19], $0x2000  }
0x1ef: {  	[sflag:s19] =	ssyncset.done @!p0 $0x0  }
0x1f0: {  	[sflag:s19] =	ssyncadd.s32 @!p0 $0xFFFFE000  }
0x1f1: {  	_ =	swait.ge @!p0 [sflag:s19], $0x2000  }
0x1f2: {  	s16 =	sadd.s32 $0x200, s16;
	[sflag:s19] =	ssyncset.done @!p0 $0x0  }
0x1f3: {  	s20 =	sadd.s32 $0x4000, s18;
	[sflag:s19] =	ssyncadd.s32 @!p0 $0xFFFFE000;
	p0 =	sne.s32 s16, $0xC800  }
0x1f4: {  	[tilespmem:s9], [sflag:$0x2] =	stream.indirect.gather.add.f32 [hbm:s3], $0x40, s20, s8, $0xb8;
	[tilespmem:$0xF600] =	vst v63  }
.Ltmp1:
0x1f5: {  	_ = 	snop;
	(pc) =	sbr.rel @p0 .LBB2_4-.Ltmp1, $4  }
0x1f6: {  	s17 =	sadd.s32 $0x1, s17;
	s31 =	sadd.s32 $0x7200, s18;
	s15 =	sadd.s32 $0x41, s15  }
0x1f7: {  	[tilespmem:s9], [sflag:$0x2] =	stream.indirect.gather.add.f32 [hbm:s3], $0x40, s31, s8, $0xb8;
	[tilespmem:$0xF600] =	vst v63  }
0x1f8: {  	s14 =	sadd.s32 $0x101, s14;
	s13 =	sadd.s32 $0x401, s13;
	s18 =	sadd.s32 $0xA400, s18  }
0x1f9: {  	[tilespmem:s9], [sflag:$0x2] =	stream.indirect.gather.add.f32 [hbm:s3], $0x40, s18, s8, $0xb8;
	[tilespmem:$0xF600] =	vst v63  }
0x1fa: {  	_ =	swait.ge [sflag:s10], $0x2000  }
0x1fb: {  	[sflag:s10] =	ssyncset.done $0x0  }
0x1fc: {  	[sflag:s10] =	ssyncadd.s32 $0xFFFFE000  }
0x1fd: {  	_ =	swait.ge [sflag:s10], $0x2000  }
0x1fe: {  	[sflag:s10] =	ssyncset.done $0x0  }
0x1ff: {  	[sflag:s10] =	ssyncadd.s32 $0xFFFFE000  }
0x200: {  	_ =	swait.ge [sflag:s10], $0x2000  }
0x201: {  	[sflag:s10] =	ssyncset.done $0x0  }
0x202: {  	[sflag:s10] =	ssyncadd.s32 $0xFFFFE000  }
0x203: {  	_ =	swait.ge [sflag:s10], $0x2000  }
0x204: {  	[sflag:s10] =	ssyncset.done $0x0  }
0x205: {  	[sflag:s10] =	ssyncadd.s32 $0xFFFFE000  }
0x206: {  	_ =	swait.ge [sflag:s10], $0x2000  }
0x207: {  	[sflag:s10] =	ssyncset.done $0x0  }
0x208: {  	[sflag:s10] =	ssyncadd.s32 $0xFFFFE000  }
0x209: {  	_ =	swait.ge [sflag:s10], $0x2000  }
0x20a: {  	[sflag:s10] =	ssyncset.done $0x0  }
0x20b: {  	[sflag:s10] =	ssyncadd.s32 $0xFFFFE000  }
0x20c: {  	_ =	swait.ge [sflag:s10], $0x2000  }
0x20d: {  	[sflag:s10] =	ssyncset.done $0x0  }
0x20e: {  	[sflag:s10] =	ssyncadd.s32 $0xFFFFE000  }
0x20f: {  	_ =	swait.ge [sflag:s10], $0x2000  }
0x210: {  	[sflag:s10] =	ssyncset.done $0x0  }
0x211: {  	[sflag:s10] =	ssyncadd.s32 $0xFFFFE000  }
0x212: {  	_ =	swait.ge [sflag:s10], $0x2000  }
0x213: {  	[sflag:s10] =	ssyncset.done $0x0  }
0x214: {  	[sflag:s10] =	ssyncadd.s32 $0xFFFFE000  }
0x215: {  	_ =	swait.ge [sflag:s10], $0x2000  }
0x216: {  	[sflag:s10] =	ssyncset.done $0x0  }
0x217: {  	[sflag:s10] =	ssyncadd.s32 $0xFFFFE000  }
0x218: {  	_ =	swait.ge [sflag:s10], $0x2000  }
0x219: {  	[sflag:s10] =	ssyncset.done $0x0  }
0x21a: {  	[sflag:s10] =	ssyncadd.s32 $0xFFFFE000  }
0x21b: {  	_ =	swait.ge [sflag:s10], $0x2000  }
0x21c: {  	[sflag:s10] =	ssyncset.done $0x0  }
0x21d: {  	[sflag:s10] =	ssyncadd.s32 $0xFFFFE000  }
0x21e: {  	_ =	swait.ge [sflag:s10], $0x2000  }
0x21f: {  	[sflag:s10] =	ssyncset.done $0x0  }
0x220: {  	[sflag:s10] =	ssyncadd.s32 $0xFFFFE000  }
0x221: {  	_ =	swait.ge [sflag:s10], $0x2000  }
0x222: {  	[sflag:s10] =	ssyncset.done $0x0  }
0x223: {  	[sflag:s10] =	ssyncadd.s32 $0xFFFFE000  }
0x224: {  	_ =	swait.ge [sflag:s10], $0x2000  }
0x225: {  	[sflag:s10] =	ssyncset.done $0x0  }
0x226: {  	[sflag:s10] =	ssyncadd.s32 $0xFFFFE000  }
0x227: {  	_ =	swait.ge [sflag:s10], $0x2000  }
0x228: {  	[sflag:s10] =	ssyncset.done $0x0  }
0x229: {  	[sflag:s10] =	ssyncadd.s32 $0xFFFFE000  }
0x22a: {  	_ =	swait.ge [sflag:s10], $0x2000  }
0x22b: {  	[sflag:s10] =	ssyncset.done $0x0  }
0x22c: {  	[sflag:s10] =	ssyncadd.s32 $0xFFFFE000  }
0x22d: {  	_ =	swait.ge [sflag:s10], $0x2000  }
0x22e: {  	[sflag:s10] =	ssyncset.done $0x0  }
0x22f: {  	[sflag:s10] =	ssyncadd.s32 $0xFFFFE000  }
0x230: {  	_ =	swait.ge [sflag:s10], $0x2000  }
0x231: {  	[sflag:s10] =	ssyncset.done $0x0  }
0x232: {  	[sflag:s10] =	ssyncadd.s32 $0xFFFFE000  }
0x233: {  	_ =	swait.ge [sflag:s10], $0x2000  }
0x234: {  	[sflag:s10] =	ssyncset.done $0x0  }
0x235: {  	[sflag:s10] =	ssyncadd.s32 $0xFFFFE000  }
0x236: {  	_ =	swait.ge [sflag:s10], $0x2000  }
0x237: {  	[sflag:s10] =	ssyncset.done $0x0  }
0x238: {  	[sflag:s10] =	ssyncadd.s32 $0xFFFFE000  }
0x239: {  	_ =	swait.ge [sflag:s10], $0x2000  }
0x23a: {  	[sflag:s10] =	ssyncset.done $0x0  }
0x23b: {  	[sflag:s10] =	ssyncadd.s32 $0xFFFFE000  }
0x23c: {  	_ =	swait.ge [sflag:s10], $0x2000  }
0x23d: {  	[sflag:s10] =	ssyncset.done $0x0  }
0x23e: {  	[sflag:s10] =	ssyncadd.s32 $0xFFFFE000  }
0x23f: {  	s12 =	sadd.s32 $0x1, s12;
	_ =	swait.ge [sflag:s10], $0x2000  }
0x240: {  	p0 =	sne.s32 s12, s6;
	[sflag:s10] =	ssyncset.done $0x0  }
.Ltmp2:
0x241: {  	[sflag:s10] =	ssyncadd.s32 $0xFFFFE000;
	(pc) =	sbr.rel @p0 .LBB2_1-.Ltmp2, $4  }
0x242: {  	[hbm4b:s5+s2] =	stream.linear.scatter [tilespmem:s9], [sflag:$0x3], $0x2000, $0x38;
	[tilespmem:$0xF600] =	vst v63  }
0x243: {  	_ =	swait.ge [sflag:s11], $0x2000  }
0x244: {  	[sflag:s11] =	ssyncset.done $0x0  }
0x245: {  	[sflag:s11] =	ssyncadd.s32 $0xFFFFE000  }
0x246: {  	_ =	sfence.sel $0x180000  }
0x247: {  	[bflag:$0x0] =	sbarrier.arrive $0xFFFF  }
0x248: {  	p0 =	sne.s32 s0, $0x0;
	_ =	strace $0x90000047  }
0x249: {  	s0 =	sadd.s32 @!p0 $0x100000, s1;
	[bflag:$0x2] =	sbarrier.arrive $0xFFFF  }
0x24a: {  	[sflag:s0] =	ssyncadd.tile.s32 @!p0 $0x1;
	_ =	shalt  }
.Lfunc_end2:
_tile_overlayer_lowered:
.L_overlay_start_2:
0x24b: {  	(tag) =	ssettag $0x2  }
0x24c: {  	s0 =	rddreg [dreg:$0x0];
	s2 =	stileid.u32  }
0x24d: {  	s1 =	rddreg [dreg:$0x1];
	p0 =	sne.s32 s2, $0x0  }
0x24e: {  	s3 =	rddreg [dreg:$0x2];
	[bflag:$0x3] =	sbarrier.arrive $0xFFFF;
	s2 =	simm.s32 @!p0 $0x1C03  }
0x24f: {  	[timem:s3], [sflag:s2] =	dma.local @!p0 [hbm:s0], s1  }
0x250: {  	s0 =	simm.s32 @!p0 $0x3  }
0x251: {  	_ =	swait.ge @!p0 [sflag:s0], s1  }
0x252: {  	s1 =	ssub.s32 @!p0 $0x0, s1;
	[sflag:s0] =	ssyncset.done @!p0 $0x0  }
0x253: {  	[sflag:s0] =	ssyncadd.s32 @!p0 s1  }
0x254: {  	[bflag:$0x3] =	sbarrier.arrive $0xFFFF  }
0x255: {  	_ =	shalt  }

</sc_bundles>
